<compile_context>
chip_gen: v7x
topology: tpu7x:2x2x1
jax: 0.10.2.dev20260603
libtpu: 0.0.44.dev20260713+nightly
codegen_flags: <defaults>
</compile_context>

<pallas_src>
import functools

import jax
import jax.numpy as jnp
from jax import lax
from jax.experimental import pallas as pl
from jax.experimental.pallas import tpu as pltpu
from jax.experimental.pallas import tpu_sc as plsc

N_NODES = 10000
N_EDGES = 320000
IN_FEATS = 128
HIDDEN = 64
OUT_FEATS = 32

NPAD = 10240
SINK = N_NODES
NSUB = 16
CHUNK = 128
EPT = 20480
E_PAD = NSUB * EPT
D1 = 80
DH1 = 40
D2 = 32
DH2 = 16
BLK = 1024
ROWS_PER = NPAD // NSUB
MESH = dict(core_axis_name="c", subcore_axis_name="s")

G1 = EPT // CHUNK
NB = 4
KK2 = 10
SLAB2 = KK2 * CHUNK
G2 = EPT // SLAB2


@functools.partial(
    pl.kernel,
    out_type=jax.ShapeDtypeStruct((NPAD, D1), jnp.float32),
    mesh=plsc.VectorSubcoreMesh(**MESH),
    scratch_types=[
        pltpu.VMEM((G1 + NB, CHUNK), jnp.int32),
        pltpu.VMEM((G1, CHUNK), jnp.int32),
        [pltpu.VMEM((CHUNK, DH1), jnp.float32)] * NB,
        pltpu.VMEM_SHARED((NPAD, DH1), jnp.float32),
        pltpu.VMEM_SHARED((NPAD, DH1), jnp.float32),
        [pltpu.SemaphoreType.DMA] * NB,
        [pltpu.SemaphoreType.DMA] * NB,
    ],
    compiler_params=pltpu.CompilerParams(use_tc_tiling_on_sc=False),
)
def _sc_segsum_l1(table_hbm, src_hbm, dst_hbm, zeros_hbm, out_hbm,
                  src_v, dst_v, bufs, tbl_sh, acc_sh, gsem, ssem):
  c = lax.axis_index("c")
  s = lax.axis_index("s")

  row0 = s * ROWS_PER
  col0 = c * DH1
  pltpu.sync_copy(table_hbm.at[pl.ds(row0, ROWS_PER), pl.ds(col0, DH1)],
                  tbl_sh.at[pl.ds(row0, ROWS_PER)])
  pltpu.sync_copy(zeros_hbm.at[pl.ds(row0, ROWS_PER)],
                  acc_sh.at[pl.ds(row0, ROWS_PER)])
  pltpu.sync_copy(src_hbm.at[s, pl.ds(0, G1 + NB)], src_v)
  pltpu.sync_copy(dst_hbm.at[s], dst_v)
  plsc.subcore_barrier()

  for i in range(NB):
    pltpu.async_copy(tbl_sh.at[src_v.at[i]], bufs[i], gsem[i])

  def body(t, carry):
    j0 = NB * t
    scs = []
    for i in range(NB):
      pltpu.make_async_copy(tbl_sh.at[src_v.at[j0 + i]],
                            bufs[i], gsem[i]).wait()
      scs.append(pltpu.async_copy(bufs[i], acc_sh.at[dst_v.at[j0 + i]],
                                  ssem[i], add=True))
    for i in range(NB):
      scs[i].wait()
      pltpu.async_copy(tbl_sh.at[src_v.at[j0 + NB + i]], bufs[i], gsem[i])
    return carry

  lax.fori_loop(0, G1 // NB, body, 0)
  for i in range(NB):
    pltpu.make_async_copy(tbl_sh.at[src_v.at[G1 + i]], bufs[i],
                          gsem[i]).wait()

  plsc.subcore_barrier()
  pltpu.sync_copy(acc_sh.at[pl.ds(row0, ROWS_PER)],
                  out_hbm.at[pl.ds(row0, ROWS_PER), pl.ds(col0, DH1)])


@functools.partial(
    pl.kernel,
    out_type=jax.ShapeDtypeStruct((NPAD, D2), jnp.float32),
    mesh=plsc.VectorSubcoreMesh(**MESH),
    scratch_types=[
        pltpu.VMEM((G2 + 1, SLAB2), jnp.int32),
        pltpu.VMEM((G2, SLAB2), jnp.int32),
        pltpu.VMEM((SLAB2, DH2), jnp.float32),
        pltpu.VMEM((SLAB2, DH2), jnp.float32),
        pltpu.VMEM_SHARED((NPAD, DH2), jnp.float32),
        pltpu.VMEM_SHARED((NPAD, DH2), jnp.float32),
        pltpu.VMEM((ROWS_PER,), jnp.float32),
        pltpu.VMEM((ROWS_PER, DH2), jnp.float32),
        pltpu.VMEM((DH2,), jnp.float32),
        pltpu.VMEM((ROWS_PER, DH2), jnp.float32),
        pltpu.SemaphoreType.DMA,
        pltpu.SemaphoreType.DMA,
    ],
    compiler_params=pltpu.CompilerParams(use_tc_tiling_on_sc=False),
)
def _sc_segsum_l2(table_hbm, src_hbm, dst_hbm, zeros_hbm, rc_hbm, hr_hbm,
                  b2_hbm, out_hbm,
                  src_v, dst_v, buf0, buf1, tbl_sh, acc_sh,
                  rc_v, hr_v, b2_v, out_v, sem0, sem1):
  c = lax.axis_index("c")
  s = lax.axis_index("s")

  row0 = s * ROWS_PER
  col0 = c * DH2
  pltpu.sync_copy(table_hbm.at[pl.ds(row0, ROWS_PER), pl.ds(col0, DH2)],
                  tbl_sh.at[pl.ds(row0, ROWS_PER)])
  pltpu.sync_copy(zeros_hbm.at[pl.ds(row0, ROWS_PER)],
                  acc_sh.at[pl.ds(row0, ROWS_PER)])
  pltpu.sync_copy(src_hbm.at[s], src_v)
  pltpu.sync_copy(dst_hbm.at[s], dst_v)
  plsc.subcore_barrier()

  pltpu.async_copy(tbl_sh.at[src_v.at[0]], buf0, sem0)

  def body(t, carry):
    g0 = 2 * t
    pltpu.async_copy(tbl_sh.at[src_v.at[g0 + 1]], buf1, sem1)
    pltpu.make_async_copy(tbl_sh.at[src_v.at[g0]], buf0, sem0).wait()
    pltpu.sync_copy(buf0, acc_sh.at[dst_v.at[g0]], add=True)
    pltpu.async_copy(tbl_sh.at[src_v.at[g0 + 2]], buf0, sem0)
    pltpu.make_async_copy(tbl_sh.at[src_v.at[g0 + 1]], buf1, sem1).wait()
    pltpu.sync_copy(buf1, acc_sh.at[dst_v.at[g0 + 1]], add=True)
    return carry

  lax.fori_loop(0, G2 // 2, body, 0)
  pltpu.make_async_copy(tbl_sh.at[src_v.at[G2]], buf0, sem0).wait()
  plsc.subcore_barrier()

  pltpu.sync_copy(rc_hbm.at[pl.ds(row0, ROWS_PER)], rc_v)
  pltpu.sync_copy(hr_hbm.at[pl.ds(row0, ROWS_PER), pl.ds(col0, DH2)], hr_v)
  pltpu.sync_copy(b2_hbm.at[pl.ds(c * DH2, DH2)], b2_v)
  pltpu.sync_copy(acc_sh.at[pl.ds(row0, ROWS_PER)], out_v)
  b2vec = b2_v[...]

  def eblk(q, carry):
    rc16 = rc_v[pl.ds(q * 16, 16)]
    for i in range(16):
      r = q * 16 + i
      out_v[r, :] = out_v[r, :] * rc16[i] + b2vec + hr_v[r, :]
    return carry

  lax.fori_loop(0, ROWS_PER // 16, eblk, 0)
  pltpu.sync_copy(out_v, out_hbm.at[pl.ds(row0, ROWS_PER), pl.ds(col0, DH2)])


def _tc1_body(x_ref, wl_ref, wr_ref, y1_ref, xr_ref):
  xb = x_ref[...]
  yl = jnp.dot(xb, wl_ref[...], preferred_element_type=jnp.float32)
  col = lax.broadcasted_iota(jnp.int32, (BLK, D1 - HIDDEN), 1)
  cnt_col = jnp.where(col == 0, 1.0, 0.0).astype(jnp.float32)
  y1_ref[...] = jnp.concatenate([yl, cnt_col], axis=1)
  xr_ref[...] = jnp.dot(xb, wr_ref[...], preferred_element_type=jnp.float32)


def _tc2_body(p_ref, xr_ref, b_ref, wl2_ref, wr2_ref, y2_ref, hr_ref, rc_ref):
  agg = p_ref[...]
  col = lax.broadcasted_iota(jnp.int32, (BLK, D1), 1)
  cnt = jnp.sum(jnp.where(col == HIDDEN, agg, 0.0), axis=1, keepdims=True)
  rc = 1.0 / jnp.maximum(cnt, 1.0)
  h = jnp.maximum(agg * rc + b_ref[...] + xr_ref[...], 0.0)
  y2_ref[...] = jnp.dot(h, wl2_ref[...], preferred_element_type=jnp.float32)
  hr_ref[...] = jnp.dot(h, wr2_ref[...], preferred_element_type=jnp.float32)
  rc_ref[...] = rc


def kernel(x, edge_index, W1l, b1, W1r, W2l, b2, W2r):
  f32 = jnp.float32
  grid = NPAD // BLK

  src = edge_index[0].astype(jnp.int32)
  dst = edge_index[1].astype(jnp.int32)
  pad = E_PAD - N_EDGES
  src_p = jnp.concatenate(
      [src, jnp.zeros((pad,), jnp.int32)]).reshape(NSUB, EPT)
  src_p = jnp.concatenate([src_p, jnp.zeros((NSUB, SLAB2), jnp.int32)],
                          axis=1)
  sink = SINK + jnp.arange(pad, dtype=jnp.int32) % (NPAD - SINK)
  dst_p = jnp.concatenate([dst, sink]).reshape(NSUB, EPT)
  src3a = src_p.reshape(NSUB, G1 + KK2, CHUNK)
  src3b = src_p.reshape(NSUB, G2 + 1, SLAB2)
  dst3a = dst_p.reshape(NSUB, G1, CHUNK)
  dst3b = dst_p.reshape(NSUB, G2, SLAB2)
  w1l_t = W1l.T
  w1r_t = jnp.zeros((IN_FEATS, D1), f32).at[:, :HIDDEN].set(W1r.T)
  b1p = jnp.zeros((1, D1), f32).at[0, :HIDDEN].set(b1)
  w2l_t = jnp.zeros((D1, OUT_FEATS), f32).at[:HIDDEN].set(W2l.T)
  w2r_t = jnp.zeros((D1, OUT_FEATS), f32).at[:HIDDEN].set(W2r.T)
  zeros1 = jnp.zeros((NPAD, DH1), f32)
  zeros2 = jnp.zeros((NPAD, DH2), f32)

  y1, xr1 = pl.pallas_call(
      _tc1_body,
      grid=(grid,),
      in_specs=[
          pl.BlockSpec((BLK, IN_FEATS), lambda i: (i, 0)),
          pl.BlockSpec((IN_FEATS, HIDDEN), lambda i: (0, 0)),
          pl.BlockSpec((IN_FEATS, D1), lambda i: (0, 0)),
      ],
      out_specs=[
          pl.BlockSpec((BLK, D1), lambda i: (i, 0)),
          pl.BlockSpec((BLK, D1), lambda i: (i, 0)),
      ],
      out_shape=[
          jax.ShapeDtypeStruct((NPAD, D1), f32),
          jax.ShapeDtypeStruct((NPAD, D1), f32),
      ],
  )(x, w1l_t, w1r_t)

  p1 = _sc_segsum_l1(y1, src3a, dst3a, zeros1)

  y2, hr2, rc = pl.pallas_call(
      _tc2_body,
      grid=(grid,),
      in_specs=[
          pl.BlockSpec((BLK, D1), lambda i: (i, 0)),
          pl.BlockSpec((BLK, D1), lambda i: (i, 0)),
          pl.BlockSpec((1, D1), lambda i: (0, 0)),
          pl.BlockSpec((D1, OUT_FEATS), lambda i: (0, 0)),
          pl.BlockSpec((D1, OUT_FEATS), lambda i: (0, 0)),
      ],
      out_specs=[
          pl.BlockSpec((BLK, D2), lambda i: (i, 0)),
          pl.BlockSpec((BLK, D2), lambda i: (i, 0)),
          pl.BlockSpec((BLK, 1), lambda i: (i, 0)),
      ],
      out_shape=[
          jax.ShapeDtypeStruct((NPAD, D2), f32),
          jax.ShapeDtypeStruct((NPAD, D2), f32),
          jax.ShapeDtypeStruct((NPAD, 1), f32),
      ],
  )(p1, xr1, b1p, w2l_t, w2r_t)

  out = _sc_segsum_l2(y2, src3b, dst3b, zeros2, rc.reshape(NPAD), hr2, b2)

  return out[:N_NODES]

# --- scband reference (transcript-rebuilt; emitter-appended) ---
"""Pipeline reference for scband-sagerecommender-6897717477582 (READ-ONLY COPY).

The authoritative reference and input builder live on the scoring server;
editing this copy changes nothing except your own understanding.
"""

import jax, jax.numpy as jnp
import numpy as np

N_NODES = 10000
N_EDGES = 320000
IN_FEATS = 128
HIDDEN = 64
OUT_FEATS = 32


def setup_inputs(seed: int = 0) -> dict:
    key = jax.random.key(seed)
    ks = jax.random.split(key, 8)
    x = jax.random.normal(ks[0], (N_NODES, IN_FEATS), dtype=jnp.float32)
    edge_index = jax.random.randint(ks[1], (2, N_EDGES), 0, N_NODES, dtype=jnp.int64)
    # SAGEConv layer 1 params (lin_l: aggregated neighbors, with bias; lin_r: root, no bias)
    s1 = 1.0 / np.sqrt(IN_FEATS)
    W1l = jax.random.uniform(ks[2], (HIDDEN, IN_FEATS), minval=-s1, maxval=s1, dtype=jnp.float32)
    b1 = jnp.zeros((HIDDEN,), dtype=jnp.float32)
    W1r = jax.random.uniform(ks[3], (HIDDEN, IN_FEATS), minval=-s1, maxval=s1, dtype=jnp.float32)
    # SAGEConv layer 2 params
    s2 = 1.0 / np.sqrt(HIDDEN)
    W2l = jax.random.uniform(ks[4], (OUT_FEATS, HIDDEN), minval=-s2, maxval=s2, dtype=jnp.float32)
    b2 = jnp.zeros((OUT_FEATS,), dtype=jnp.float32)
    W2r = jax.random.uniform(ks[5], (OUT_FEATS, HIDDEN), minval=-s2, maxval=s2, dtype=jnp.float32)
    return {"x": x, "edge_index": edge_index, "W1l": W1l, "b1": b1, "W1r": W1r, "W2l": W2l, "b2": b2, "W2r": W2r}


def _sage_conv(x, src, dst, Wl, b, Wr):
    # mean aggregation of neighbor features (messages flow src -> dst)
    msgs = jnp.take(x, src, axis=0)
    agg = jax.ops.segment_sum(msgs, dst, num_segments=N_NODES)
    cnt = jax.ops.segment_sum(jnp.ones((src.shape[0],), dtype=x.dtype), dst, num_segments=N_NODES)
    mean = agg / jnp.clip(cnt, 1.0)[:, None]
    return mean @ Wl.T + b + x @ Wr.T


def reference(x, edge_index, W1l, b1, W1r, W2l, b2, W2r):
    src = edge_index[0]
    dst = edge_index[1]
    h = _sage_conv(x, src, dst, W1l, b1, W1r)
    h = jax.nn.relu(h)
    out = _sage_conv(h, src, dst, W2l, b2, W2r)
    return out

if __name__ == "__main__":
    import jax
    _d = setup_inputs()
    print(jax.jit(kernel)(*tuple(_d.values())))

</pallas_src>

<mosaic_0001>
#map = affine_map<(d0, d1) -> (0, 0)>
#map1 = affine_map<(d0, d1) -> (0, 0, 0)>
#map2 = affine_map<(d0, d1) -> (0)>
module attributes {stable_mosaic.version = 14 : i64} {
  func.func @_sc_segsum_l2(%arg0: i32, %arg1: i32, %arg2: memref<10240x32xf32, #tpu.memory_space<hbm>>, %arg3: memref<16x17x1280xi32, #tpu.memory_space<hbm>>, %arg4: memref<16x16x1280xi32, #tpu.memory_space<hbm>>, %arg5: memref<10240x16xf32, #tpu.memory_space<hbm>>, %arg6: memref<10240xf32, #tpu.memory_space<hbm>>, %arg7: memref<10240x32xf32, #tpu.memory_space<hbm>>, %arg8: memref<32xf32, #tpu.memory_space<hbm>>, %arg9: memref<10240x32xf32, #tpu.memory_space<hbm>>, %arg10: memref<17x1280xi32, #tpu.memory_space<vmem>>, %arg11: memref<16x1280xi32, #tpu.memory_space<vmem>>, %arg12: memref<1280x16xf32, #tpu.memory_space<vmem>>, %arg13: memref<1280x16xf32, #tpu.memory_space<vmem>>, %arg14: memref<10240x16xf32, #tpu.memory_space<vmem_shared>>, %arg15: memref<10240x16xf32, #tpu.memory_space<vmem_shared>>, %arg16: memref<640xf32, #tpu.memory_space<vmem>>, %arg17: memref<640x16xf32, #tpu.memory_space<vmem>>, %arg18: memref<16xf32, #tpu.memory_space<vmem>>, %arg19: memref<640x16xf32, #tpu.memory_space<vmem>>, %arg20: memref<!tpu.dma_semaphore, #tpu.memory_space<semaphore_mem>>, %arg21: memref<!tpu.dma_semaphore, #tpu.memory_space<semaphore_mem>>) attributes {dimension_semantics = [#tpu.dimension_semantics<core_parallel>, #tpu.dimension_semantics<subcore_parallel>], iteration_bounds = array<i64: 2, 16>, scalar_prefetch = 0 : i64, scratch_operands = 12 : i64, tpu.core_type = #tpu.core_type<sc_vector_subcore>, window_params = [{transform_indices = #map}, {transform_indices = #map1}, {transform_indices = #map1}, {transform_indices = #map}, {transform_indices = #map2}, {transform_indices = #map}, {transform_indices = #map2}, {transform_indices = #map}]} {
    %mul3A = arith.constant 640 : i32
    %mul3A_0 = arith.muli %arg1, %mul3A : i32
    %mul3A_1 = arith.constant 16 : i32
    %mul3A_2 = arith.muli %arg0, %mul3A_1 : i32
    "tpu.region"() ({
      %run_scoped3A = tpu.sem_alloc : memref<!tpu.dma_semaphore, #tpu.memory_space<semaphore_mem>>
      %dma_start3A_31 = arith.constant 0 : i32
      %dma_start3A_32 = tpu.memref_slice %arg14[%mul3A_0, %dma_start3A_31] : memref<10240x16xf32, #tpu.memory_space<vmem_shared>> -> memref<640x16xf32, #tpu.memory_space<vmem_shared>>
      %dma_start3A_33 = tpu.memref_slice %arg2[%mul3A_0, %mul3A_2] : memref<10240x32xf32, #tpu.memory_space<hbm>> -> memref<640x16xf32, #tpu.memory_space<hbm>>
      tpu.enqueue_dma source(%dma_start3A_33 : memref<640x16xf32, #tpu.memory_space<hbm>>) target(%dma_start3A_32 : memref<640x16xf32, #tpu.memory_space<vmem_shared>>) target_semaphore(%run_scoped3A : memref<!tpu.dma_semaphore, #tpu.memory_space<semaphore_mem>>)
      %dma_wait3A_34 = arith.constant 0 : i32
      %dma_wait3A_35 = tpu.memref_slice %arg14[%mul3A_0, %dma_wait3A_34] : memref<10240x16xf32, #tpu.memory_space<vmem_shared>> -> memref<640x16xf32, #tpu.memory_space<vmem_shared>>
      %dma_wait3A_36 = tpu.memref_slice %arg2[%mul3A_0, %mul3A_2] : memref<10240x32xf32, #tpu.memory_space<hbm>> -> memref<640x16xf32, #tpu.memory_space<hbm>>
      tpu.wait_dma2 semaphore(%run_scoped3A : memref<!tpu.dma_semaphore, #tpu.memory_space<semaphore_mem>>) src(%dma_wait3A_36 : memref<640x16xf32, #tpu.memory_space<hbm>>) dst(%dma_wait3A_35 : memref<640x16xf32, #tpu.memory_space<vmem_shared>>)
      tpu.yield
    }) : () -> ()
    "tpu.region"() ({
      %run_scoped3A = tpu.sem_alloc : memref<!tpu.dma_semaphore, #tpu.memory_space<semaphore_mem>>
      %dma_start3A_31 = arith.constant 0 : i32
      %dma_start3A_32 = tpu.memref_slice %arg15[%mul3A_0, %dma_start3A_31] : memref<10240x16xf32, #tpu.memory_space<vmem_shared>> -> memref<640x16xf32, #tpu.memory_space<vmem_shared>>
      %dma_start3A_33 = arith.constant 0 : i32
      %dma_start3A_34 = tpu.memref_slice %arg5[%mul3A_0, %dma_start3A_33] : memref<10240x16xf32, #tpu.memory_space<hbm>> -> memref<640x16xf32, #tpu.memory_space<hbm>>
      tpu.enqueue_dma source(%dma_start3A_34 : memref<640x16xf32, #tpu.memory_space<hbm>>) target(%dma_start3A_32 : memref<640x16xf32, #tpu.memory_space<vmem_shared>>) target_semaphore(%run_scoped3A : memref<!tpu.dma_semaphore, #tpu.memory_space<semaphore_mem>>)
      %dma_wait3A_35 = arith.constant 0 : i32
      %dma_wait3A_36 = tpu.memref_slice %arg15[%mul3A_0, %dma_wait3A_35] : memref<10240x16xf32, #tpu.memory_space<vmem_shared>> -> memref<640x16xf32, #tpu.memory_space<vmem_shared>>
      %dma_wait3A_37 = arith.constant 0 : i32
      %dma_wait3A_38 = tpu.memref_slice %arg5[%mul3A_0, %dma_wait3A_37] : memref<10240x16xf32, #tpu.memory_space<hbm>> -> memref<640x16xf32, #tpu.memory_space<hbm>>
      tpu.wait_dma2 semaphore(%run_scoped3A : memref<!tpu.dma_semaphore, #tpu.memory_space<semaphore_mem>>) src(%dma_wait3A_38 : memref<640x16xf32, #tpu.memory_space<hbm>>) dst(%dma_wait3A_36 : memref<640x16xf32, #tpu.memory_space<vmem_shared>>)
      tpu.yield
    }) : () -> ()
    "tpu.region"() ({
      %run_scoped3A = tpu.sem_alloc : memref<!tpu.dma_semaphore, #tpu.memory_space<semaphore_mem>>
      %dma_start3A_31 = arith.constant 0 : i32
      %dma_start3A_32 = arith.constant 0 : i32
      %dma_start3A_33 = tpu.memref_slice %arg3[%arg1, %dma_start3A_31, %dma_start3A_32] : memref<16x17x1280xi32, #tpu.memory_space<hbm>> -> memref<1x17x1280xi32, #tpu.memory_space<hbm>>
      %dma_start3A_34 = tpu.memref_squeeze %dma_start3A_33 : memref<1x17x1280xi32, #tpu.memory_space<hbm>> -> memref<17x1280xi32, #tpu.memory_space<hbm>>
      %dma_start3A_35 = arith.constant 0 : i32
      %dma_start3A_36 = arith.constant 0 : i32
      %dma_start3A_37 = tpu.memref_slice %arg3[%arg1, %dma_start3A_35, %dma_start3A_36] : memref<16x17x1280xi32, #tpu.memory_space<hbm>> -> memref<1x17x1280xi32, #tpu.memory_space<hbm>>
      %dma_start3A_38 = tpu.memref_squeeze %dma_start3A_37 : memref<1x17x1280xi32, #tpu.memory_space<hbm>> -> memref<17x1280xi32, #tpu.memory_space<hbm>>
      tpu.enqueue_dma source(%dma_start3A_38 : memref<17x1280xi32, #tpu.memory_space<hbm>>) target(%arg10 : memref<17x1280xi32, #tpu.memory_space<vmem>>) target_semaphore(%run_scoped3A : memref<!tpu.dma_semaphore, #tpu.memory_space<semaphore_mem>>)
      %dma_wait3A_39 = arith.constant 0 : i32
      %dma_wait3A_40 = arith.constant 0 : i32
      %dma_wait3A_41 = tpu.memref_slice %arg3[%arg1, %dma_wait3A_39, %dma_wait3A_40] : memref<16x17x1280xi32, #tpu.memory_space<hbm>> -> memref<1x17x1280xi32, #tpu.memory_space<hbm>>
      %dma_wait3A_42 = tpu.memref_squeeze %dma_wait3A_41 : memref<1x17x1280xi32, #tpu.memory_space<hbm>> -> memref<17x1280xi32, #tpu.memory_space<hbm>>
      %dma_wait3A_43 = arith.constant 0 : i32
      %dma_wait3A_44 = arith.constant 0 : i32
      %dma_wait3A_45 = tpu.memref_slice %arg3[%arg1, %dma_wait3A_43, %dma_wait3A_44] : memref<16x17x1280xi32, #tpu.memory_space<hbm>> -> memref<1x17x1280xi32, #tpu.memory_space<hbm>>
      %dma_wait3A_46 = tpu.memref_squeeze %dma_wait3A_45 : memref<1x17x1280xi32, #tpu.memory_space<hbm>> -> memref<17x1280xi32, #tpu.memory_space<hbm>>
      tpu.wait_dma2 semaphore(%run_scoped3A : memref<!tpu.dma_semaphore, #tpu.memory_space<semaphore_mem>>) src(%dma_wait3A_46 : memref<17x1280xi32, #tpu.memory_space<hbm>>) dst(%arg10 : memref<17x1280xi32, #tpu.memory_space<vmem>>)
      tpu.yield
    }) : () -> ()
    "tpu.region"() ({
      %run_scoped3A = tpu.sem_alloc : memref<!tpu.dma_semaphore, #tpu.memory_space<semaphore_mem>>
      %dma_start3A_31 = arith.constant 0 : i32
      %dma_start3A_32 = arith.constant 0 : i32
      %dma_start3A_33 = tpu.memref_slice %arg4[%arg1, %dma_start3A_31, %dma_start3A_32] : memref<16x16x1280xi32, #tpu.memory_space<hbm>> -> memref<1x16x1280xi32, #tpu.memory_space<hbm>>
      %dma_start3A_34 = tpu.memref_squeeze %dma_start3A_33 : memref<1x16x1280xi32, #tpu.memory_space<hbm>> -> memref<16x1280xi32, #tpu.memory_space<hbm>>
      %dma_start3A_35 = arith.constant 0 : i32
      %dma_start3A_36 = arith.constant 0 : i32
      %dma_start3A_37 = tpu.memref_slice %arg4[%arg1, %dma_start3A_35, %dma_start3A_36] : memref<16x16x1280xi32, #tpu.memory_space<hbm>> -> memref<1x16x1280xi32, #tpu.memory_space<hbm>>
      %dma_start3A_38 = tpu.memref_squeeze %dma_start3A_37 : memref<1x16x1280xi32, #tpu.memory_space<hbm>> -> memref<16x1280xi32, #tpu.memory_space<hbm>>
      tpu.enqueue_dma source(%dma_start3A_38 : memref<16x1280xi32, #tpu.memory_space<hbm>>) target(%arg11 : memref<16x1280xi32, #tpu.memory_space<vmem>>) target_semaphore(%run_scoped3A : memref<!tpu.dma_semaphore, #tpu.memory_space<semaphore_mem>>)
      %dma_wait3A_39 = arith.constant 0 : i32
      %dma_wait3A_40 = arith.constant 0 : i32
      %dma_wait3A_41 = tpu.memref_slice %arg4[%arg1, %dma_wait3A_39, %dma_wait3A_40] : memref<16x16x1280xi32, #tpu.memory_space<hbm>> -> memref<1x16x1280xi32, #tpu.memory_space<hbm>>
      %dma_wait3A_42 = tpu.memref_squeeze %dma_wait3A_41 : memref<1x16x1280xi32, #tpu.memory_space<hbm>> -> memref<16x1280xi32, #tpu.memory_space<hbm>>
      %dma_wait3A_43 = arith.constant 0 : i32
      %dma_wait3A_44 = arith.constant 0 : i32
      %dma_wait3A_45 = tpu.memref_slice %arg4[%arg1, %dma_wait3A_43, %dma_wait3A_44] : memref<16x16x1280xi32, #tpu.memory_space<hbm>> -> memref<1x16x1280xi32, #tpu.memory_space<hbm>>
      %dma_wait3A_46 = tpu.memref_squeeze %dma_wait3A_45 : memref<1x16x1280xi32, #tpu.memory_space<hbm>> -> memref<16x1280xi32, #tpu.memory_space<hbm>>
      tpu.wait_dma2 semaphore(%run_scoped3A : memref<!tpu.dma_semaphore, #tpu.memory_space<semaphore_mem>>) src(%dma_wait3A_46 : memref<16x1280xi32, #tpu.memory_space<hbm>>) dst(%arg11 : memref<16x1280xi32, #tpu.memory_space<vmem>>)
      tpu.yield
    }) : () -> ()
    %barrier3A = arith.constant 0 : index
    tpu.barrier barrier_id(%barrier3A)
    %dma_start3A = arith.constant 0 : i32
    %dma_start3A_3 = arith.constant 0 : i32
    %dma_start3A_4 = tpu.memref_slice %arg10[%dma_start3A, %dma_start3A_3] : memref<17x1280xi32, #tpu.memory_space<vmem>> -> memref<1x1280xi32, #tpu.memory_space<vmem>>
    %dma_start3A_5 = tpu.memref_squeeze %dma_start3A_4 : memref<1x1280xi32, #tpu.memory_space<vmem>> -> memref<1280xi32, #tpu.memory_space<vmem>>
    %dma_start3A_6 = arith.constant 0 : i32
    %dma_start3A_7 = arith.constant 0 : i32
    %dma_start3A_8 = tpu.memref_slice %arg14[%dma_start3A_6, %dma_start3A_7] : memref<10240x16xf32, #tpu.memory_space<vmem_shared>> -> memref<10240x16xf32, #tpu.memory_space<vmem_shared>>
    tpu.enqueue_indirect_dma source(%dma_start3A_8 : memref<10240x16xf32, #tpu.memory_space<vmem_shared>>) target(%arg12 : memref<1280x16xf32, #tpu.memory_space<vmem>>) offsets(%dma_start3A_5 : memref<1280xi32, #tpu.memory_space<vmem>>) semaphore(%arg20 : memref<!tpu.dma_semaphore, #tpu.memory_space<semaphore_mem>>)
    %scan3A = arith.constant 0 : i32
    %scan3A_9 = arith.constant 0 : i32
    %scan3A_10 = arith.constant 8 : i32
    %scan3A_11 = arith.addi %scan3A_9, %scan3A_10 : i32
    %scan3A_12 = arith.constant 1 : i32
    scf.for %scan3A_31 = %scan3A_9 to %scan3A_11 step %scan3A_12  : i32 {
      %mul3A_32 = arith.constant 2 : i32
      %mul3A_33 = arith.muli %mul3A_32, %scan3A_31 : i32
      %add3A = arith.constant 1 : i32
      %add3A_34 = arith.addi %mul3A_33, %add3A : i32
      %dma_start3A_35 = arith.constant 0 : i32
      %dma_start3A_36 = tpu.memref_slice %arg10[%add3A_34, %dma_start3A_35] : memref<17x1280xi32, #tpu.memory_space<vmem>> -> memref<1x1280xi32, #tpu.memory_space<vmem>>
      %dma_start3A_37 = tpu.memref_squeeze %dma_start3A_36 : memref<1x1280xi32, #tpu.memory_space<vmem>> -> memref<1280xi32, #tpu.memory_space<vmem>>
      %dma_start3A_38 = arith.constant 0 : i32
      %dma_start3A_39 = arith.constant 0 : i32
      %dma_start3A_40 = tpu.memref_slice %arg14[%dma_start3A_38, %dma_start3A_39] : memref<10240x16xf32, #tpu.memory_space<vmem_shared>> -> memref<10240x16xf32, #tpu.memory_space<vmem_shared>>
      tpu.enqueue_indirect_dma source(%dma_start3A_40 : memref<10240x16xf32, #tpu.memory_space<vmem_shared>>) target(%arg13 : memref<1280x16xf32, #tpu.memory_space<vmem>>) offsets(%dma_start3A_37 : memref<1280xi32, #tpu.memory_space<vmem>>) semaphore(%arg21 : memref<!tpu.dma_semaphore, #tpu.memory_space<semaphore_mem>>)
      %dma_wait3A_41 = arith.constant 0 : i32
      %dma_wait3A_42 = tpu.memref_slice %arg10[%mul3A_33, %dma_wait3A_41] : memref<17x1280xi32, #tpu.memory_space<vmem>> -> memref<1x1280xi32, #tpu.memory_space<vmem>>
      %dma_wait3A_43 = tpu.memref_squeeze %dma_wait3A_42 : memref<1x1280xi32, #tpu.memory_space<vmem>> -> memref<1280xi32, #tpu.memory_space<vmem>>
      %dma_wait3A_44 = arith.constant 0 : i32
      %dma_wait3A_45 = arith.constant 0 : i32
      %dma_wait3A_46 = tpu.memref_slice %arg14[%dma_wait3A_44, %dma_wait3A_45] : memref<10240x16xf32, #tpu.memory_space<vmem_shared>> -> memref<10240x16xf32, #tpu.memory_space<vmem_shared>>
      tpu.wait_indirect_dma semaphore(%arg20 : memref<!tpu.dma_semaphore, #tpu.memory_space<semaphore_mem>>) src(%dma_wait3A_46 : memref<10240x16xf32, #tpu.memory_space<vmem_shared>>) dst(%arg12 : memref<1280x16xf32, #tpu.memory_space<vmem>>)
      "tpu.region"() ({
        %run_scoped3A = tpu.sem_alloc : memref<!tpu.dma_semaphore, #tpu.memory_space<semaphore_mem>>
        %dma_start3A_65 = arith.constant 0 : i32
        %dma_start3A_66 = tpu.memref_slice %arg11[%mul3A_33, %dma_start3A_65] : memref<16x1280xi32, #tpu.memory_space<vmem>> -> memref<1x1280xi32, #tpu.memory_space<vmem>>
        %dma_start3A_67 = tpu.memref_squeeze %dma_start3A_66 : memref<1x1280xi32, #tpu.memory_space<vmem>> -> memref<1280xi32, #tpu.memory_space<vmem>>
        %dma_start3A_68 = arith.constant 0 : i32
        %dma_start3A_69 = arith.constant 0 : i32
        %dma_start3A_70 = tpu.memref_slice %arg15[%dma_start3A_68, %dma_start3A_69] : memref<10240x16xf32, #tpu.memory_space<vmem_shared>> -> memref<10240x16xf32, #tpu.memory_space<vmem_shared>>
        tpu.enqueue_indirect_dma source(%arg12 : memref<1280x16xf32, #tpu.memory_space<vmem>>) target(%dma_start3A_70 : memref<10240x16xf32, #tpu.memory_space<vmem_shared>>) offsets(%dma_start3A_67 : memref<1280xi32, #tpu.memory_space<vmem>>) semaphore(%run_scoped3A : memref<!tpu.dma_semaphore, #tpu.memory_space<semaphore_mem>>) {add = true}
        %dma_wait3A_71 = arith.constant 0 : i32
        %dma_wait3A_72 = tpu.memref_slice %arg11[%mul3A_33, %dma_wait3A_71] : memref<16x1280xi32, #tpu.memory_space<vmem>> -> memref<1x1280xi32, #tpu.memory_space<vmem>>
        %dma_wait3A_73 = tpu.memref_squeeze %dma_wait3A_72 : memref<1x1280xi32, #tpu.memory_space<vmem>> -> memref<1280xi32, #tpu.memory_space<vmem>>
        %dma_wait3A_74 = arith.constant 0 : i32
        %dma_wait3A_75 = arith.constant 0 : i32
        %dma_wait3A_76 = tpu.memref_slice %arg15[%dma_wait3A_74, %dma_wait3A_75] : memref<10240x16xf32, #tpu.memory_space<vmem_shared>> -> memref<10240x16xf32, #tpu.memory_space<vmem_shared>>
        tpu.wait_indirect_dma semaphore(%run_scoped3A : memref<!tpu.dma_semaphore, #tpu.memory_space<semaphore_mem>>) src(%arg12 : memref<1280x16xf32, #tpu.memory_space<vmem>>) dst(%dma_wait3A_76 : memref<10240x16xf32, #tpu.memory_space<vmem_shared>>)
        tpu.yield
      }) : () -> ()
      %add3A_47 = arith.constant 2 : i32
      %add3A_48 = arith.addi %mul3A_33, %add3A_47 : i32
      %dma_start3A_49 = arith.constant 0 : i32
      %dma_start3A_50 = tpu.memref_slice %arg10[%add3A_48, %dma_start3A_49] : memref<17x1280xi32, #tpu.memory_space<vmem>> -> memref<1x1280xi32, #tpu.memory_space<vmem>>
      %dma_start3A_51 = tpu.memref_squeeze %dma_start3A_50 : memref<1x1280xi32, #tpu.memory_space<vmem>> -> memref<1280xi32, #tpu.memory_space<vmem>>
      %dma_start3A_52 = arith.constant 0 : i32
      %dma_start3A_53 = arith.constant 0 : i32
      %dma_start3A_54 = tpu.memref_slice %arg14[%dma_start3A_52, %dma_start3A_53] : memref<10240x16xf32, #tpu.memory_space<vmem_shared>> -> memref<10240x16xf32, #tpu.memory_space<vmem_shared>>
      tpu.enqueue_indirect_dma source(%dma_start3A_54 : memref<10240x16xf32, #tpu.memory_space<vmem_shared>>) target(%arg12 : memref<1280x16xf32, #tpu.memory_space<vmem>>) offsets(%dma_start3A_51 : memref<1280xi32, #tpu.memory_space<vmem>>) semaphore(%arg20 : memref<!tpu.dma_semaphore, #tpu.memory_space<semaphore_mem>>)
      %add3A_55 = arith.constant 1 : i32
      %add3A_56 = arith.addi %mul3A_33, %add3A_55 : i32
      %dma_wait3A_57 = arith.constant 0 : i32
      %dma_wait3A_58 = tpu.memref_slice %arg10[%add3A_56, %dma_wait3A_57] : memref<17x1280xi32, #tpu.memory_space<vmem>> -> memref<1x1280xi32, #tpu.memory_space<vmem>>
      %dma_wait3A_59 = tpu.memref_squeeze %dma_wait3A_58 : memref<1x1280xi32, #tpu.memory_space<vmem>> -> memref<1280xi32, #tpu.memory_space<vmem>>
      %dma_wait3A_60 = arith.constant 0 : i32
      %dma_wait3A_61 = arith.constant 0 : i32
      %dma_wait3A_62 = tpu.memref_slice %arg14[%dma_wait3A_60, %dma_wait3A_61] : memref<10240x16xf32, #tpu.memory_space<vmem_shared>> -> memref<10240x16xf32, #tpu.memory_space<vmem_shared>>
      tpu.wait_indirect_dma semaphore(%arg21 : memref<!tpu.dma_semaphore, #tpu.memory_space<semaphore_mem>>) src(%dma_wait3A_62 : memref<10240x16xf32, #tpu.memory_space<vmem_shared>>) dst(%arg13 : memref<1280x16xf32, #tpu.memory_space<vmem>>)
      %add3A_63 = arith.constant 1 : i32
      %add3A_64 = arith.addi %mul3A_33, %add3A_63 : i32
      "tpu.region"() ({
        %run_scoped3A = tpu.sem_alloc : memref<!tpu.dma_semaphore, #tpu.memory_space<semaphore_mem>>
        %dma_start3A_65 = arith.constant 0 : i32
        %dma_start3A_66 = tpu.memref_slice %arg11[%add3A_64, %dma_start3A_65] : memref<16x1280xi32, #tpu.memory_space<vmem>> -> memref<1x1280xi32, #tpu.memory_space<vmem>>
        %dma_start3A_67 = tpu.memref_squeeze %dma_start3A_66 : memref<1x1280xi32, #tpu.memory_space<vmem>> -> memref<1280xi32, #tpu.memory_space<vmem>>
        %dma_start3A_68 = arith.constant 0 : i32
        %dma_start3A_69 = arith.constant 0 : i32
        %dma_start3A_70 = tpu.memref_slice %arg15[%dma_start3A_68, %dma_start3A_69] : memref<10240x16xf32, #tpu.memory_space<vmem_shared>> -> memref<10240x16xf32, #tpu.memory_space<vmem_shared>>
        tpu.enqueue_indirect_dma source(%arg13 : memref<1280x16xf32, #tpu.memory_space<vmem>>) target(%dma_start3A_70 : memref<10240x16xf32, #tpu.memory_space<vmem_shared>>) offsets(%dma_start3A_67 : memref<1280xi32, #tpu.memory_space<vmem>>) semaphore(%run_scoped3A : memref<!tpu.dma_semaphore, #tpu.memory_space<semaphore_mem>>) {add = true}
        %dma_wait3A_71 = arith.constant 0 : i32
        %dma_wait3A_72 = tpu.memref_slice %arg11[%add3A_64, %dma_wait3A_71] : memref<16x1280xi32, #tpu.memory_space<vmem>> -> memref<1x1280xi32, #tpu.memory_space<vmem>>
        %dma_wait3A_73 = tpu.memref_squeeze %dma_wait3A_72 : memref<1x1280xi32, #tpu.memory_space<vmem>> -> memref<1280xi32, #tpu.memory_space<vmem>>
        %dma_wait3A_74 = arith.constant 0 : i32
        %dma_wait3A_75 = arith.constant 0 : i32
        %dma_wait3A_76 = tpu.memref_slice %arg15[%dma_wait3A_74, %dma_wait3A_75] : memref<10240x16xf32, #tpu.memory_space<vmem_shared>> -> memref<10240x16xf32, #tpu.memory_space<vmem_shared>>
        tpu.wait_indirect_dma semaphore(%run_scoped3A : memref<!tpu.dma_semaphore, #tpu.memory_space<semaphore_mem>>) src(%arg13 : memref<1280x16xf32, #tpu.memory_space<vmem>>) dst(%dma_wait3A_76 : memref<10240x16xf32, #tpu.memory_space<vmem_shared>>)
        tpu.yield
      }) : () -> ()
    }
    %scan3A_13 = arith.constant 8 : i32
    %dma_wait3A = arith.constant 16 : i32
    %dma_wait3A_14 = arith.constant 0 : i32
    %dma_wait3A_15 = tpu.memref_slice %arg10[%dma_wait3A, %dma_wait3A_14] : memref<17x1280xi32, #tpu.memory_space<vmem>> -> memref<1x1280xi32, #tpu.memory_space<vmem>>
    %dma_wait3A_16 = tpu.memref_squeeze %dma_wait3A_15 : memref<1x1280xi32, #tpu.memory_space<vmem>> -> memref<1280xi32, #tpu.memory_space<vmem>>
    %dma_wait3A_17 = arith.constant 0 : i32
    %dma_wait3A_18 = arith.constant 0 : i32
    %dma_wait3A_19 = tpu.memref_slice %arg14[%dma_wait3A_17, %dma_wait3A_18] : memref<10240x16xf32, #tpu.memory_space<vmem_shared>> -> memref<10240x16xf32, #tpu.memory_space<vmem_shared>>
    tpu.wait_indirect_dma semaphore(%arg20 : memref<!tpu.dma_semaphore, #tpu.memory_space<semaphore_mem>>) src(%dma_wait3A_19 : memref<10240x16xf32, #tpu.memory_space<vmem_shared>>) dst(%arg12 : memref<1280x16xf32, #tpu.memory_space<vmem>>)
    %barrier3A_20 = arith.constant 0 : index
    tpu.barrier barrier_id(%barrier3A_20)
    "tpu.region"() ({
      %run_scoped3A = tpu.sem_alloc : memref<!tpu.dma_semaphore, #tpu.memory_space<semaphore_mem>>
      %dma_start3A_31 = tpu.memref_slice %arg6[%mul3A_0] : memref<10240xf32, #tpu.memory_space<hbm>> -> memref<640xf32, #tpu.memory_space<hbm>>
      %dma_start3A_32 = tpu.memref_slice %arg6[%mul3A_0] : memref<10240xf32, #tpu.memory_space<hbm>> -> memref<640xf32, #tpu.memory_space<hbm>>
      tpu.enqueue_dma source(%dma_start3A_32 : memref<640xf32, #tpu.memory_space<hbm>>) target(%arg16 : memref<640xf32, #tpu.memory_space<vmem>>) target_semaphore(%run_scoped3A : memref<!tpu.dma_semaphore, #tpu.memory_space<semaphore_mem>>)
      %dma_wait3A_33 = tpu.memref_slice %arg6[%mul3A_0] : memref<10240xf32, #tpu.memory_space<hbm>> -> memref<640xf32, #tpu.memory_space<hbm>>
      %dma_wait3A_34 = tpu.memref_slice %arg6[%mul3A_0] : memref<10240xf32, #tpu.memory_space<hbm>> -> memref<640xf32, #tpu.memory_space<hbm>>
      tpu.wait_dma2 semaphore(%run_scoped3A : memref<!tpu.dma_semaphore, #tpu.memory_space<semaphore_mem>>) src(%dma_wait3A_34 : memref<640xf32, #tpu.memory_space<hbm>>) dst(%arg16 : memref<640xf32, #tpu.memory_space<vmem>>)
      tpu.yield
    }) : () -> ()
    "tpu.region"() ({
      %run_scoped3A = tpu.sem_alloc : memref<!tpu.dma_semaphore, #tpu.memory_space<semaphore_mem>>
      %dma_start3A_31 = tpu.memref_slice %arg7[%mul3A_0, %mul3A_2] : memref<10240x32xf32, #tpu.memory_space<hbm>> -> memref<640x16xf32, #tpu.memory_space<hbm>>
      %dma_start3A_32 = tpu.memref_slice %arg7[%mul3A_0, %mul3A_2] : memref<10240x32xf32, #tpu.memory_space<hbm>> -> memref<640x16xf32, #tpu.memory_space<hbm>>
      tpu.enqueue_dma source(%dma_start3A_32 : memref<640x16xf32, #tpu.memory_space<hbm>>) target(%arg17 : memref<640x16xf32, #tpu.memory_space<vmem>>) target_semaphore(%run_scoped3A : memref<!tpu.dma_semaphore, #tpu.memory_space<semaphore_mem>>)
      %dma_wait3A_33 = tpu.memref_slice %arg7[%mul3A_0, %mul3A_2] : memref<10240x32xf32, #tpu.memory_space<hbm>> -> memref<640x16xf32, #tpu.memory_space<hbm>>
      %dma_wait3A_34 = tpu.memref_slice %arg7[%mul3A_0, %mul3A_2] : memref<10240x32xf32, #tpu.memory_space<hbm>> -> memref<640x16xf32, #tpu.memory_space<hbm>>
      tpu.wait_dma2 semaphore(%run_scoped3A : memref<!tpu.dma_semaphore, #tpu.memory_space<semaphore_mem>>) src(%dma_wait3A_34 : memref<640x16xf32, #tpu.memory_space<hbm>>) dst(%arg17 : memref<640x16xf32, #tpu.memory_space<vmem>>)
      tpu.yield
    }) : () -> ()
    %mul3A_21 = arith.constant 16 : i32
    %mul3A_22 = arith.muli %arg0, %mul3A_21 : i32
    "tpu.region"() ({
      %run_scoped3A = tpu.sem_alloc : memref<!tpu.dma_semaphore, #tpu.memory_space<semaphore_mem>>
      %dma_start3A_31 = tpu.memref_slice %arg8[%mul3A_22] : memref<32xf32, #tpu.memory_space<hbm>> -> memref<16xf32, #tpu.memory_space<hbm>>
      %dma_start3A_32 = tpu.memref_slice %arg8[%mul3A_22] : memref<32xf32, #tpu.memory_space<hbm>> -> memref<16xf32, #tpu.memory_space<hbm>>
      tpu.enqueue_dma source(%dma_start3A_32 : memref<16xf32, #tpu.memory_space<hbm>>) target(%arg18 : memref<16xf32, #tpu.memory_space<vmem>>) target_semaphore(%run_scoped3A : memref<!tpu.dma_semaphore, #tpu.memory_space<semaphore_mem>>)
      %dma_wait3A_33 = tpu.memref_slice %arg8[%mul3A_22] : memref<32xf32, #tpu.memory_space<hbm>> -> memref<16xf32, #tpu.memory_space<hbm>>
      %dma_wait3A_34 = tpu.memref_slice %arg8[%mul3A_22] : memref<32xf32, #tpu.memory_space<hbm>> -> memref<16xf32, #tpu.memory_space<hbm>>
      tpu.wait_dma2 semaphore(%run_scoped3A : memref<!tpu.dma_semaphore, #tpu.memory_space<semaphore_mem>>) src(%dma_wait3A_34 : memref<16xf32, #tpu.memory_space<hbm>>) dst(%arg18 : memref<16xf32, #tpu.memory_space<vmem>>)
      tpu.yield
    }) : () -> ()
    "tpu.region"() ({
      %run_scoped3A = tpu.sem_alloc : memref<!tpu.dma_semaphore, #tpu.memory_space<semaphore_mem>>
      %dma_start3A_31 = arith.constant 0 : i32
      %dma_start3A_32 = tpu.memref_slice %arg15[%mul3A_0, %dma_start3A_31] : memref<10240x16xf32, #tpu.memory_space<vmem_shared>> -> memref<640x16xf32, #tpu.memory_space<vmem_shared>>
      %dma_start3A_33 = arith.constant 0 : i32
      %dma_start3A_34 = tpu.memref_slice %arg15[%mul3A_0, %dma_start3A_33] : memref<10240x16xf32, #tpu.memory_space<vmem_shared>> -> memref<640x16xf32, #tpu.memory_space<vmem_shared>>
      tpu.enqueue_dma source(%dma_start3A_34 : memref<640x16xf32, #tpu.memory_space<vmem_shared>>) target(%arg19 : memref<640x16xf32, #tpu.memory_space<vmem>>) target_semaphore(%run_scoped3A : memref<!tpu.dma_semaphore, #tpu.memory_space<semaphore_mem>>)
      %dma_wait3A_35 = arith.constant 0 : i32
      %dma_wait3A_36 = tpu.memref_slice %arg15[%mul3A_0, %dma_wait3A_35] : memref<10240x16xf32, #tpu.memory_space<vmem_shared>> -> memref<640x16xf32, #tpu.memory_space<vmem_shared>>
      %dma_wait3A_37 = arith.constant 0 : i32
      %dma_wait3A_38 = tpu.memref_slice %arg15[%mul3A_0, %dma_wait3A_37] : memref<10240x16xf32, #tpu.memory_space<vmem_shared>> -> memref<640x16xf32, #tpu.memory_space<vmem_shared>>
      tpu.wait_dma2 semaphore(%run_scoped3A : memref<!tpu.dma_semaphore, #tpu.memory_space<semaphore_mem>>) src(%dma_wait3A_38 : memref<640x16xf32, #tpu.memory_space<vmem_shared>>) dst(%arg19 : memref<640x16xf32, #tpu.memory_space<vmem>>)
      tpu.yield
    }) : () -> ()
    %get3A = arith.constant 0 : index
    %get3A_23 = tpu.vector_load %arg18[%get3A] {strides = array<i32>} : memref<16xf32, #tpu.memory_space<vmem>>, vector<16xf32>,
    %get3A_24 = vector.shape_cast %get3A_23 : vector<16xf32> to vector<16xf32>
    %scan3A_25 = arith.constant 0 : i32
    %scan3A_26 = arith.constant 0 : i32
    %scan3A_27 = arith.constant 40 : i32
    %scan3A_28 = arith.addi %scan3A_26, %scan3A_27 : i32
    %scan3A_29 = arith.constant 1 : i32
    scf.for %scan3A_31 = %scan3A_26 to %scan3A_28 step %scan3A_29  : i32 {
      %mul3A_32 = arith.constant 16 : i32
      %mul3A_33 = arith.muli %scan3A_31, %mul3A_32 : i32
      %get3A_34 = arith.index_cast %mul3A_33 : i32 to index
      %get3A_35 = tpu.vector_load %arg16[%get3A_34] {strides = array<i32>} : memref<640xf32, #tpu.memory_space<vmem>>, vector<16xf32>,
      %get3A_36 = vector.shape_cast %get3A_35 : vector<16xf32> to vector<16xf32>
      %mul3A_37 = arith.constant 16 : i32
      %mul3A_38 = arith.muli %scan3A_31, %mul3A_37 : i32
      %add3A = arith.constant 0 : i32
      %add3A_39 = arith.addi %mul3A_38, %add3A : i32
      %get3A_40 = arith.index_cast %add3A_39 : i32 to index
      %get3A_41 = arith.constant 0 : index
      %get3A_42 = tpu.vector_load %arg19[%get3A_40, %get3A_41] {strides = array<i32>} : memref<640x16xf32, #tpu.memory_space<vmem>>, vector<1x16xf32>,
      %get3A_43 = vector.shape_cast %get3A_42 : vector<1x16xf32> to vector<16xf32>
      %slice3A = vector.extract_strided_slice %get3A_36 {offsets = [0], sizes = [1], strides = [1]} : vector<16xf32> to vector<1xf32>
      %squeeze3A = vector.extract %slice3A[0] : f32 from vector<1xf32>
      %mul3A_44 = vector.broadcast %squeeze3A : f32 to vector<16xf32>
      %mul3A_45 = arith.mulf %get3A_43, %mul3A_44 : vector<16xf32>
      %add3A_46 = arith.addf %mul3A_45, %get3A_24 : vector<16xf32>
      %get3A_47 = arith.index_cast %add3A_39 : i32 to index
      %get3A_48 = arith.constant 0 : index
      %get3A_49 = tpu.vector_load %arg17[%get3A_47, %get3A_48] {strides = array<i32>} : memref<640x16xf32, #tpu.memory_space<vmem>>, vector<1x16xf32>,
      %get3A_50 = vector.shape_cast %get3A_49 : vector<1x16xf32> to vector<16xf32>
      %add3A_51 = arith.addf %add3A_46, %get3A_50 : vector<16xf32>
      %swap3A = arith.index_cast %add3A_39 : i32 to index
      %swap3A_52 = arith.constant 0 : index
      %swap3A_53 = tpu.vector_load %arg19[%swap3A, %swap3A_52] {strides = array<i32>} : memref<640x16xf32, #tpu.memory_space<vmem>>, vector<1x16xf32>,
      %swap3A_54 = vector.shape_cast %swap3A_53 : vector<1x16xf32> to vector<16xf32>
      %swap3A_55 = vector.shape_cast %add3A_51 : vector<16xf32> to vector<1x16xf32>
      tpu.vector_store %arg19[%swap3A, %swap3A_52], %swap3A_55 {strides = array<i32>} : memref<640x16xf32, #tpu.memory_space<vmem>>, vector<1x16xf32>,
      %mul3A_56 = arith.constant 16 : i32
      %mul3A_57 = arith.muli %scan3A_31, %mul3A_56 : i32
      %add3A_58 = arith.constant 1 : i32
      %add3A_59 = arith.addi %mul3A_57, %add3A_58 : i32
      %get3A_60 = arith.index_cast %add3A_59 : i32 to index
      %get3A_61 = arith.constant 0 : index
      %get3A_62 = tpu.vector_load %arg19[%get3A_60, %get3A_61] {strides = array<i32>} : memref<640x16xf32, #tpu.memory_space<vmem>>, vector<1x16xf32>,
      %get3A_63 = vector.shape_cast %get3A_62 : vector<1x16xf32> to vector<16xf32>
      %slice3A_64 = vector.extract_strided_slice %get3A_36 {offsets = [1], sizes = [1], strides = [1]} : vector<16xf32> to vector<1xf32>
      %squeeze3A_65 = vector.extract %slice3A_64[0] : f32 from vector<1xf32>
      %mul3A_66 = vector.broadcast %squeeze3A_65 : f32 to vector<16xf32>
      %mul3A_67 = arith.mulf %get3A_63, %mul3A_66 : vector<16xf32>
      %add3A_68 = arith.addf %mul3A_67, %get3A_24 : vector<16xf32>
      %get3A_69 = arith.index_cast %add3A_59 : i32 to index
      %get3A_70 = arith.constant 0 : index
      %get3A_71 = tpu.vector_load %arg17[%get3A_69, %get3A_70] {strides = array<i32>} : memref<640x16xf32, #tpu.memory_space<vmem>>, vector<1x16xf32>,
      %get3A_72 = vector.shape_cast %get3A_71 : vector<1x16xf32> to vector<16xf32>
      %add3A_73 = arith.addf %add3A_68, %get3A_72 : vector<16xf32>
      %swap3A_74 = arith.index_cast %add3A_59 : i32 to index
      %swap3A_75 = arith.constant 0 : index
      %swap3A_76 = tpu.vector_load %arg19[%swap3A_74, %swap3A_75] {strides = array<i32>} : memref<640x16xf32, #tpu.memory_space<vmem>>, vector<1x16xf32>,
      %swap3A_77 = vector.shape_cast %swap3A_76 : vector<1x16xf32> to vector<16xf32>
      %swap3A_78 = vector.shape_cast %add3A_73 : vector<16xf32> to vector<1x16xf32>
      tpu.vector_store %arg19[%swap3A_74, %swap3A_75], %swap3A_78 {strides = array<i32>} : memref<640x16xf32, #tpu.memory_space<vmem>>, vector<1x16xf32>,
      %mul3A_79 = arith.constant 16 : i32
      %mul3A_80 = arith.muli %scan3A_31, %mul3A_79 : i32
      %add3A_81 = arith.constant 2 : i32
      %add3A_82 = arith.addi %mul3A_80, %add3A_81 : i32
      %get3A_83 = arith.index_cast %add3A_82 : i32 to index
      %get3A_84 = arith.constant 0 : index
      %get3A_85 = tpu.vector_load %arg19[%get3A_83, %get3A_84] {strides = array<i32>} : memref<640x16xf32, #tpu.memory_space<vmem>>, vector<1x16xf32>,
      %get3A_86 = vector.shape_cast %get3A_85 : vector<1x16xf32> to vector<16xf32>
      %slice3A_87 = vector.extract_strided_slice %get3A_36 {offsets = [2], sizes = [1], strides = [1]} : vector<16xf32> to vector<1xf32>
      %squeeze3A_88 = vector.extract %slice3A_87[0] : f32 from vector<1xf32>
      %mul3A_89 = vector.broadcast %squeeze3A_88 : f32 to vector<16xf32>
      %mul3A_90 = arith.mulf %get3A_86, %mul3A_89 : vector<16xf32>
      %add3A_91 = arith.addf %mul3A_90, %get3A_24 : vector<16xf32>
      %get3A_92 = arith.index_cast %add3A_82 : i32 to index
      %get3A_93 = arith.constant 0 : index
      %get3A_94 = tpu.vector_load %arg17[%get3A_92, %get3A_93] {strides = array<i32>} : memref<640x16xf32, #tpu.memory_space<vmem>>, vector<1x16xf32>,
      %get3A_95 = vector.shape_cast %get3A_94 : vector<1x16xf32> to vector<16xf32>
      %add3A_96 = arith.addf %add3A_91, %get3A_95 : vector<16xf32>
      %swap3A_97 = arith.index_cast %add3A_82 : i32 to index
      %swap3A_98 = arith.constant 0 : index
      %swap3A_99 = tpu.vector_load %arg19[%swap3A_97, %swap3A_98] {strides = array<i32>} : memref<640x16xf32, #tpu.memory_space<vmem>>, vector<1x16xf32>,
      %swap3A_100 = vector.shape_cast %swap3A_99 : vector<1x16xf32> to vector<16xf32>
      %swap3A_101 = vector.shape_cast %add3A_96 : vector<16xf32> to vector<1x16xf32>
      tpu.vector_store %arg19[%swap3A_97, %swap3A_98], %swap3A_101 {strides = array<i32>} : memref<640x16xf32, #tpu.memory_space<vmem>>, vector<1x16xf32>,
      %mul3A_102 = arith.constant 16 : i32
      %mul3A_103 = arith.muli %scan3A_31, %mul3A_102 : i32
      %add3A_104 = arith.constant 3 : i32
      %add3A_105 = arith.addi %mul3A_103, %add3A_104 : i32
      %get3A_106 = arith.index_cast %add3A_105 : i32 to index
      %get3A_107 = arith.constant 0 : index
      %get3A_108 = tpu.vector_load %arg19[%get3A_106, %get3A_107] {strides = array<i32>} : memref<640x16xf32, #tpu.memory_space<vmem>>, vector<1x16xf32>,
      %get3A_109 = vector.shape_cast %get3A_108 : vector<1x16xf32> to vector<16xf32>
      %slice3A_110 = vector.extract_strided_slice %get3A_36 {offsets = [3], sizes = [1], strides = [1]} : vector<16xf32> to vector<1xf32>
      %squeeze3A_111 = vector.extract %slice3A_110[0] : f32 from vector<1xf32>
      %mul3A_112 = vector.broadcast %squeeze3A_111 : f32 to vector<16xf32>
      %mul3A_113 = arith.mulf %get3A_109, %mul3A_112 : vector<16xf32>
      %add3A_114 = arith.addf %mul3A_113, %get3A_24 : vector<16xf32>
      %get3A_115 = arith.index_cast %add3A_105 : i32 to index
      %get3A_116 = arith.constant 0 : index
      %get3A_117 = tpu.vector_load %arg17[%get3A_115, %get3A_116] {strides = array<i32>} : memref<640x16xf32, #tpu.memory_space<vmem>>, vector<1x16xf32>,
      %get3A_118 = vector.shape_cast %get3A_117 : vector<1x16xf32> to vector<16xf32>
      %add3A_119 = arith.addf %add3A_114, %get3A_118 : vector<16xf32>
      %swap3A_120 = arith.index_cast %add3A_105 : i32 to index
      %swap3A_121 = arith.constant 0 : index
      %swap3A_122 = tpu.vector_load %arg19[%swap3A_120, %swap3A_121] {strides = array<i32>} : memref<640x16xf32, #tpu.memory_space<vmem>>, vector<1x16xf32>,
      %swap3A_123 = vector.shape_cast %swap3A_122 : vector<1x16xf32> to vector<16xf32>
      %swap3A_124 = vector.shape_cast %add3A_119 : vector<16xf32> to vector<1x16xf32>
      tpu.vector_store %arg19[%swap3A_120, %swap3A_121], %swap3A_124 {strides = array<i32>} : memref<640x16xf32, #tpu.memory_space<vmem>>, vector<1x16xf32>,
      %mul3A_125 = arith.constant 16 : i32
      %mul3A_126 = arith.muli %scan3A_31, %mul3A_125 : i32
      %add3A_127 = arith.constant 4 : i32
      %add3A_128 = arith.addi %mul3A_126, %add3A_127 : i32
      %get3A_129 = arith.index_cast %add3A_128 : i32 to index
      %get3A_130 = arith.constant 0 : index
      %get3A_131 = tpu.vector_load %arg19[%get3A_129, %get3A_130] {strides = array<i32>} : memref<640x16xf32, #tpu.memory_space<vmem>>, vector<1x16xf32>,
      %get3A_132 = vector.shape_cast %get3A_131 : vector<1x16xf32> to vector<16xf32>
      %slice3A_133 = vector.extract_strided_slice %get3A_36 {offsets = [4], sizes = [1], strides = [1]} : vector<16xf32> to vector<1xf32>
      %squeeze3A_134 = vector.extract %slice3A_133[0] : f32 from vector<1xf32>
      %mul3A_135 = vector.broadcast %squeeze3A_134 : f32 to vector<16xf32>
      %mul3A_136 = arith.mulf %get3A_132, %mul3A_135 : vector<16xf32>
      %add3A_137 = arith.addf %mul3A_136, %get3A_24 : vector<16xf32>
      %get3A_138 = arith.index_cast %add3A_128 : i32 to index
      %get3A_139 = arith.constant 0 : index
      %get3A_140 = tpu.vector_load %arg17[%get3A_138, %get3A_139] {strides = array<i32>} : memref<640x16xf32, #tpu.memory_space<vmem>>, vector<1x16xf32>,
      %get3A_141 = vector.shape_cast %get3A_140 : vector<1x16xf32> to vector<16xf32>
      %add3A_142 = arith.addf %add3A_137, %get3A_141 : vector<16xf32>
      %swap3A_143 = arith.index_cast %add3A_128 : i32 to index
      %swap3A_144 = arith.constant 0 : index
      %swap3A_145 = tpu.vector_load %arg19[%swap3A_143, %swap3A_144] {strides = array<i32>} : memref<640x16xf32, #tpu.memory_space<vmem>>, vector<1x16xf32>,
      %swap3A_146 = vector.shape_cast %swap3A_145 : vector<1x16xf32> to vector<16xf32>
      %swap3A_147 = vector.shape_cast %add3A_142 : vector<16xf32> to vector<1x16xf32>
      tpu.vector_store %arg19[%swap3A_143, %swap3A_144], %swap3A_147 {strides = array<i32>} : memref<640x16xf32, #tpu.memory_space<vmem>>, vector<1x16xf32>,
      %mul3A_148 = arith.constant 16 : i32
      %mul3A_149 = arith.muli %scan3A_31, %mul3A_148 : i32
      %add3A_150 = arith.constant 5 : i32
      %add3A_151 = arith.addi %mul3A_149, %add3A_150 : i32
      %get3A_152 = arith.index_cast %add3A_151 : i32 to index
      %get3A_153 = arith.constant 0 : index
      %get3A_154 = tpu.vector_load %arg19[%get3A_152, %get3A_153] {strides = array<i32>} : memref<640x16xf32, #tpu.memory_space<vmem>>, vector<1x16xf32>,
      %get3A_155 = vector.shape_cast %get3A_154 : vector<1x16xf32> to vector<16xf32>
      %slice3A_156 = vector.extract_strided_slice %get3A_36 {offsets = [5], sizes = [1], strides = [1]} : vector<16xf32> to vector<1xf32>
      %squeeze3A_157 = vector.extract %slice3A_156[0] : f32 from vector<1xf32>
      %mul3A_158 = vector.broadcast %squeeze3A_157 : f32 to vector<16xf32>
      %mul3A_159 = arith.mulf %get3A_155, %mul3A_158 : vector<16xf32>
      %add3A_160 = arith.addf %mul3A_159, %get3A_24 : vector<16xf32>
      %get3A_161 = arith.index_cast %add3A_151 : i32 to index
      %get3A_162 = arith.constant 0 : index
      %get3A_163 = tpu.vector_load %arg17[%get3A_161, %get3A_162] {strides = array<i32>} : memref<640x16xf32, #tpu.memory_space<vmem>>, vector<1x16xf32>,
      %get3A_164 = vector.shape_cast %get3A_163 : vector<1x16xf32> to vector<16xf32>
      %add3A_165 = arith.addf %add3A_160, %get3A_164 : vector<16xf32>
      %swap3A_166 = arith.index_cast %add3A_151 : i32 to index
      %swap3A_167 = arith.constant 0 : index
      %swap3A_168 = tpu.vector_load %arg19[%swap3A_166, %swap3A_167] {strides = array<i32>} : memref<640x16xf32, #tpu.memory_space<vmem>>, vector<1x16xf32>,
      %swap3A_169 = vector.shape_cast %swap3A_168 : vector<1x16xf32> to vector<16xf32>
      %swap3A_170 = vector.shape_cast %add3A_165 : vector<16xf32> to vector<1x16xf32>
      tpu.vector_store %arg19[%swap3A_166, %swap3A_167], %swap3A_170 {strides = array<i32>} : memref<640x16xf32, #tpu.memory_space<vmem>>, vector<1x16xf32>,
      %mul3A_171 = arith.constant 16 : i32
      %mul3A_172 = arith.muli %scan3A_31, %mul3A_171 : i32
      %add3A_173 = arith.constant 6 : i32
      %add3A_174 = arith.addi %mul3A_172, %add3A_173 : i32
      %get3A_175 = arith.index_cast %add3A_174 : i32 to index
      %get3A_176 = arith.constant 0 : index
      %get3A_177 = tpu.vector_load %arg19[%get3A_175, %get3A_176] {strides = array<i32>} : memref<640x16xf32, #tpu.memory_space<vmem>>, vector<1x16xf32>,
      %get3A_178 = vector.shape_cast %get3A_177 : vector<1x16xf32> to vector<16xf32>
      %slice3A_179 = vector.extract_strided_slice %get3A_36 {offsets = [6], sizes = [1], strides = [1]} : vector<16xf32> to vector<1xf32>
      %squeeze3A_180 = vector.extract %slice3A_179[0] : f32 from vector<1xf32>
      %mul3A_181 = vector.broadcast %squeeze3A_180 : f32 to vector<16xf32>
      %mul3A_182 = arith.mulf %get3A_178, %mul3A_181 : vector<16xf32>
      %add3A_183 = arith.addf %mul3A_182, %get3A_24 : vector<16xf32>
      %get3A_184 = arith.index_cast %add3A_174 : i32 to index
      %get3A_185 = arith.constant 0 : index
      %get3A_186 = tpu.vector_load %arg17[%get3A_184, %get3A_185] {strides = array<i32>} : memref<640x16xf32, #tpu.memory_space<vmem>>, vector<1x16xf32>,
      %get3A_187 = vector.shape_cast %get3A_186 : vector<1x16xf32> to vector<16xf32>
      %add3A_188 = arith.addf %add3A_183, %get3A_187 : vector<16xf32>
      %swap3A_189 = arith.index_cast %add3A_174 : i32 to index
      %swap3A_190 = arith.constant 0 : index
      %swap3A_191 = tpu.vector_load %arg19[%swap3A_189, %swap3A_190] {strides = array<i32>} : memref<640x16xf32, #tpu.memory_space<vmem>>, vector<1x16xf32>,
      %swap3A_192 = vector.shape_cast %swap3A_191 : vector<1x16xf32> to vector<16xf32>
      %swap3A_193 = vector.shape_cast %add3A_188 : vector<16xf32> to vector<1x16xf32>
      tpu.vector_store %arg19[%swap3A_189, %swap3A_190], %swap3A_193 {strides = array<i32>} : memref<640x16xf32, #tpu.memory_space<vmem>>, vector<1x16xf32>,
      %mul3A_194 = arith.constant 16 : i32
      %mul3A_195 = arith.muli %scan3A_31, %mul3A_194 : i32
      %add3A_196 = arith.constant 7 : i32
      %add3A_197 = arith.addi %mul3A_195, %add3A_196 : i32
      %get3A_198 = arith.index_cast %add3A_197 : i32 to index
      %get3A_199 = arith.constant 0 : index
      %get3A_200 = tpu.vector_load %arg19[%get3A_198, %get3A_199] {strides = array<i32>} : memref<640x16xf32, #tpu.memory_space<vmem>>, vector<1x16xf32>,
      %get3A_201 = vector.shape_cast %get3A_200 : vector<1x16xf32> to vector<16xf32>
      %slice3A_202 = vector.extract_strided_slice %get3A_36 {offsets = [7], sizes = [1], strides = [1]} : vector<16xf32> to vector<1xf32>
      %squeeze3A_203 = vector.extract %slice3A_202[0] : f32 from vector<1xf32>
      %mul3A_204 = vector.broadcast %squeeze3A_203 : f32 to vector<16xf32>
      %mul3A_205 = arith.mulf %get3A_201, %mul3A_204 : vector<16xf32>
      %add3A_206 = arith.addf %mul3A_205, %get3A_24 : vector<16xf32>
      %get3A_207 = arith.index_cast %add3A_197 : i32 to index
      %get3A_208 = arith.constant 0 : index
      %get3A_209 = tpu.vector_load %arg17[%get3A_207, %get3A_208] {strides = array<i32>} : memref<640x16xf32, #tpu.memory_space<vmem>>, vector<1x16xf32>,
      %get3A_210 = vector.shape_cast %get3A_209 : vector<1x16xf32> to vector<16xf32>
      %add3A_211 = arith.addf %add3A_206, %get3A_210 : vector<16xf32>
      %swap3A_212 = arith.index_cast %add3A_197 : i32 to index
      %swap3A_213 = arith.constant 0 : index
      %swap3A_214 = tpu.vector_load %arg19[%swap3A_212, %swap3A_213] {strides = array<i32>} : memref<640x16xf32, #tpu.memory_space<vmem>>, vector<1x16xf32>,
      %swap3A_215 = vector.shape_cast %swap3A_214 : vector<1x16xf32> to vector<16xf32>
      %swap3A_216 = vector.shape_cast %add3A_211 : vector<16xf32> to vector<1x16xf32>
      tpu.vector_store %arg19[%swap3A_212, %swap3A_213], %swap3A_216 {strides = array<i32>} : memref<640x16xf32, #tpu.memory_space<vmem>>, vector<1x16xf32>,
      %mul3A_217 = arith.constant 16 : i32
      %mul3A_218 = arith.muli %scan3A_31, %mul3A_217 : i32
      %add3A_219 = arith.constant 8 : i32
      %add3A_220 = arith.addi %mul3A_218, %add3A_219 : i32
      %get3A_221 = arith.index_cast %add3A_220 : i32 to index
      %get3A_222 = arith.constant 0 : index
      %get3A_223 = tpu.vector_load %arg19[%get3A_221, %get3A_222] {strides = array<i32>} : memref<640x16xf32, #tpu.memory_space<vmem>>, vector<1x16xf32>,
      %get3A_224 = vector.shape_cast %get3A_223 : vector<1x16xf32> to vector<16xf32>
      %slice3A_225 = vector.extract_strided_slice %get3A_36 {offsets = [8], sizes = [1], strides = [1]} : vector<16xf32> to vector<1xf32>
      %squeeze3A_226 = vector.extract %slice3A_225[0] : f32 from vector<1xf32>
      %mul3A_227 = vector.broadcast %squeeze3A_226 : f32 to vector<16xf32>
      %mul3A_228 = arith.mulf %get3A_224, %mul3A_227 : vector<16xf32>
      %add3A_229 = arith.addf %mul3A_228, %get3A_24 : vector<16xf32>
      %get3A_230 = arith.index_cast %add3A_220 : i32 to index
      %get3A_231 = arith.constant 0 : index
      %get3A_232 = tpu.vector_load %arg17[%get3A_230, %get3A_231] {strides = array<i32>} : memref<640x16xf32, #tpu.memory_space<vmem>>, vector<1x16xf32>,
      %get3A_233 = vector.shape_cast %get3A_232 : vector<1x16xf32> to vector<16xf32>
      %add3A_234 = arith.addf %add3A_229, %get3A_233 : vector<16xf32>
      %swap3A_235 = arith.index_cast %add3A_220 : i32 to index
      %swap3A_236 = arith.constant 0 : index
      %swap3A_237 = tpu.vector_load %arg19[%swap3A_235, %swap3A_236] {strides = array<i32>} : memref<640x16xf32, #tpu.memory_space<vmem>>, vector<1x16xf32>,
      %swap3A_238 = vector.shape_cast %swap3A_237 : vector<1x16xf32> to vector<16xf32>
      %swap3A_239 = vector.shape_cast %add3A_234 : vector<16xf32> to vector<1x16xf32>
      tpu.vector_store %arg19[%swap3A_235, %swap3A_236], %swap3A_239 {strides = array<i32>} : memref<640x16xf32, #tpu.memory_space<vmem>>, vector<1x16xf32>,
      %mul3A_240 = arith.constant 16 : i32
      %mul3A_241 = arith.muli %scan3A_31, %mul3A_240 : i32
      %add3A_242 = arith.constant 9 : i32
      %add3A_243 = arith.addi %mul3A_241, %add3A_242 : i32
      %get3A_244 = arith.index_cast %add3A_243 : i32 to index
      %get3A_245 = arith.constant 0 : index
      %get3A_246 = tpu.vector_load %arg19[%get3A_244, %get3A_245] {strides = array<i32>} : memref<640x16xf32, #tpu.memory_space<vmem>>, vector<1x16xf32>,
      %get3A_247 = vector.shape_cast %get3A_246 : vector<1x16xf32> to vector<16xf32>
      %slice3A_248 = vector.extract_strided_slice %get3A_36 {offsets = [9], sizes = [1], strides = [1]} : vector<16xf32> to vector<1xf32>
      %squeeze3A_249 = vector.extract %slice3A_248[0] : f32 from vector<1xf32>
      %mul3A_250 = vector.broadcast %squeeze3A_249 : f32 to vector<16xf32>
      %mul3A_251 = arith.mulf %get3A_247, %mul3A_250 : vector<16xf32>
      %add3A_252 = arith.addf %mul3A_251, %get3A_24 : vector<16xf32>
      %get3A_253 = arith.index_cast %add3A_243 : i32 to index
      %get3A_254 = arith.constant 0 : index
      %get3A_255 = tpu.vector_load %arg17[%get3A_253, %get3A_254] {strides = array<i32>} : memref<640x16xf32, #tpu.memory_space<vmem>>, vector<1x16xf32>,
      %get3A_256 = vector.shape_cast %get3A_255 : vector<1x16xf32> to vector<16xf32>
      %add3A_257 = arith.addf %add3A_252, %get3A_256 : vector<16xf32>
      %swap3A_258 = arith.index_cast %add3A_243 : i32 to index
      %swap3A_259 = arith.constant 0 : index
      %swap3A_260 = tpu.vector_load %arg19[%swap3A_258, %swap3A_259] {strides = array<i32>} : memref<640x16xf32, #tpu.memory_space<vmem>>, vector<1x16xf32>,
      %swap3A_261 = vector.shape_cast %swap3A_260 : vector<1x16xf32> to vector<16xf32>
      %swap3A_262 = vector.shape_cast %add3A_257 : vector<16xf32> to vector<1x16xf32>
      tpu.vector_store %arg19[%swap3A_258, %swap3A_259], %swap3A_262 {strides = array<i32>} : memref<640x16xf32, #tpu.memory_space<vmem>>, vector<1x16xf32>,
      %mul3A_263 = arith.constant 16 : i32
      %mul3A_264 = arith.muli %scan3A_31, %mul3A_263 : i32
      %add3A_265 = arith.constant 10 : i32
      %add3A_266 = arith.addi %mul3A_264, %add3A_265 : i32
      %get3A_267 = arith.index_cast %add3A_266 : i32 to index
      %get3A_268 = arith.constant 0 : index
      %get3A_269 = tpu.vector_load %arg19[%get3A_267, %get3A_268] {strides = array<i32>} : memref<640x16xf32, #tpu.memory_space<vmem>>, vector<1x16xf32>,
      %get3A_270 = vector.shape_cast %get3A_269 : vector<1x16xf32> to vector<16xf32>
      %slice3A_271 = vector.extract_strided_slice %get3A_36 {offsets = [10], sizes = [1], strides = [1]} : vector<16xf32> to vector<1xf32>
      %squeeze3A_272 = vector.extract %slice3A_271[0] : f32 from vector<1xf32>
      %mul3A_273 = vector.broadcast %squeeze3A_272 : f32 to vector<16xf32>
      %mul3A_274 = arith.mulf %get3A_270, %mul3A_273 : vector<16xf32>
      %add3A_275 = arith.addf %mul3A_274, %get3A_24 : vector<16xf32>
      %get3A_276 = arith.index_cast %add3A_266 : i32 to index
      %get3A_277 = arith.constant 0 : index
      %get3A_278 = tpu.vector_load %arg17[%get3A_276, %get3A_277] {strides = array<i32>} : memref<640x16xf32, #tpu.memory_space<vmem>>, vector<1x16xf32>,
      %get3A_279 = vector.shape_cast %get3A_278 : vector<1x16xf32> to vector<16xf32>
      %add3A_280 = arith.addf %add3A_275, %get3A_279 : vector<16xf32>
      %swap3A_281 = arith.index_cast %add3A_266 : i32 to index
      %swap3A_282 = arith.constant 0 : index
      %swap3A_283 = tpu.vector_load %arg19[%swap3A_281, %swap3A_282] {strides = array<i32>} : memref<640x16xf32, #tpu.memory_space<vmem>>, vector<1x16xf32>,
      %swap3A_284 = vector.shape_cast %swap3A_283 : vector<1x16xf32> to vector<16xf32>
      %swap3A_285 = vector.shape_cast %add3A_280 : vector<16xf32> to vector<1x16xf32>
      tpu.vector_store %arg19[%swap3A_281, %swap3A_282], %swap3A_285 {strides = array<i32>} : memref<640x16xf32, #tpu.memory_space<vmem>>, vector<1x16xf32>,
      %mul3A_286 = arith.constant 16 : i32
      %mul3A_287 = arith.muli %scan3A_31, %mul3A_286 : i32
      %add3A_288 = arith.constant 11 : i32
      %add3A_289 = arith.addi %mul3A_287, %add3A_288 : i32
      %get3A_290 = arith.index_cast %add3A_289 : i32 to index
      %get3A_291 = arith.constant 0 : index
      %get3A_292 = tpu.vector_load %arg19[%get3A_290, %get3A_291] {strides = array<i32>} : memref<640x16xf32, #tpu.memory_space<vmem>>, vector<1x16xf32>,
      %get3A_293 = vector.shape_cast %get3A_292 : vector<1x16xf32> to vector<16xf32>
      %slice3A_294 = vector.extract_strided_slice %get3A_36 {offsets = [11], sizes = [1], strides = [1]} : vector<16xf32> to vector<1xf32>
      %squeeze3A_295 = vector.extract %slice3A_294[0] : f32 from vector<1xf32>
      %mul3A_296 = vector.broadcast %squeeze3A_295 : f32 to vector<16xf32>
      %mul3A_297 = arith.mulf %get3A_293, %mul3A_296 : vector<16xf32>
      %add3A_298 = arith.addf %mul3A_297, %get3A_24 : vector<16xf32>
      %get3A_299 = arith.index_cast %add3A_289 : i32 to index
      %get3A_300 = arith.constant 0 : index
      %get3A_301 = tpu.vector_load %arg17[%get3A_299, %get3A_300] {strides = array<i32>} : memref<640x16xf32, #tpu.memory_space<vmem>>, vector<1x16xf32>,
      %get3A_302 = vector.shape_cast %get3A_301 : vector<1x16xf32> to vector<16xf32>
      %add3A_303 = arith.addf %add3A_298, %get3A_302 : vector<16xf32>
      %swap3A_304 = arith.index_cast %add3A_289 : i32 to index
      %swap3A_305 = arith.constant 0 : index
      %swap3A_306 = tpu.vector_load %arg19[%swap3A_304, %swap3A_305] {strides = array<i32>} : memref<640x16xf32, #tpu.memory_space<vmem>>, vector<1x16xf32>,
      %swap3A_307 = vector.shape_cast %swap3A_306 : vector<1x16xf32> to vector<16xf32>
      %swap3A_308 = vector.shape_cast %add3A_303 : vector<16xf32> to vector<1x16xf32>
      tpu.vector_store %arg19[%swap3A_304, %swap3A_305], %swap3A_308 {strides = array<i32>} : memref<640x16xf32, #tpu.memory_space<vmem>>, vector<1x16xf32>,
      %mul3A_309 = arith.constant 16 : i32
      %mul3A_310 = arith.muli %scan3A_31, %mul3A_309 : i32
      %add3A_311 = arith.constant 12 : i32
      %add3A_312 = arith.addi %mul3A_310, %add3A_311 : i32
      %get3A_313 = arith.index_cast %add3A_312 : i32 to index
      %get3A_314 = arith.constant 0 : index
      %get3A_315 = tpu.vector_load %arg19[%get3A_313, %get3A_314] {strides = array<i32>} : memref<640x16xf32, #tpu.memory_space<vmem>>, vector<1x16xf32>,
      %get3A_316 = vector.shape_cast %get3A_315 : vector<1x16xf32> to vector<16xf32>
      %slice3A_317 = vector.extract_strided_slice %get3A_36 {offsets = [12], sizes = [1], strides = [1]} : vector<16xf32> to vector<1xf32>
      %squeeze3A_318 = vector.extract %slice3A_317[0] : f32 from vector<1xf32>
      %mul3A_319 = vector.broadcast %squeeze3A_318 : f32 to vector<16xf32>
      %mul3A_320 = arith.mulf %get3A_316, %mul3A_319 : vector<16xf32>
      %add3A_321 = arith.addf %mul3A_320, %get3A_24 : vector<16xf32>
      %get3A_322 = arith.index_cast %add3A_312 : i32 to index
      %get3A_323 = arith.constant 0 : index
      %get3A_324 = tpu.vector_load %arg17[%get3A_322, %get3A_323] {strides = array<i32>} : memref<640x16xf32, #tpu.memory_space<vmem>>, vector<1x16xf32>,
      %get3A_325 = vector.shape_cast %get3A_324 : vector<1x16xf32> to vector<16xf32>
      %add3A_326 = arith.addf %add3A_321, %get3A_325 : vector<16xf32>
      %swap3A_327 = arith.index_cast %add3A_312 : i32 to index
      %swap3A_328 = arith.constant 0 : index
      %swap3A_329 = tpu.vector_load %arg19[%swap3A_327, %swap3A_328] {strides = array<i32>} : memref<640x16xf32, #tpu.memory_space<vmem>>, vector<1x16xf32>,
      %swap3A_330 = vector.shape_cast %swap3A_329 : vector<1x16xf32> to vector<16xf32>
      %swap3A_331 = vector.shape_cast %add3A_326 : vector<16xf32> to vector<1x16xf32>
      tpu.vector_store %arg19[%swap3A_327, %swap3A_328], %swap3A_331 {strides = array<i32>} : memref<640x16xf32, #tpu.memory_space<vmem>>, vector<1x16xf32>,
      %mul3A_332 = arith.constant 16 : i32
      %mul3A_333 = arith.muli %scan3A_31, %mul3A_332 : i32
      %add3A_334 = arith.constant 13 : i32
      %add3A_335 = arith.addi %mul3A_333, %add3A_334 : i32
      %get3A_336 = arith.index_cast %add3A_335 : i32 to index
      %get3A_337 = arith.constant 0 : index
      %get3A_338 = tpu.vector_load %arg19[%get3A_336, %get3A_337] {strides = array<i32>} : memref<640x16xf32, #tpu.memory_space<vmem>>, vector<1x16xf32>,
      %get3A_339 = vector.shape_cast %get3A_338 : vector<1x16xf32> to vector<16xf32>
      %slice3A_340 = vector.extract_strided_slice %get3A_36 {offsets = [13], sizes = [1], strides = [1]} : vector<16xf32> to vector<1xf32>
      %squeeze3A_341 = vector.extract %slice3A_340[0] : f32 from vector<1xf32>
      %mul3A_342 = vector.broadcast %squeeze3A_341 : f32 to vector<16xf32>
      %mul3A_343 = arith.mulf %get3A_339, %mul3A_342 : vector<16xf32>
      %add3A_344 = arith.addf %mul3A_343, %get3A_24 : vector<16xf32>
      %get3A_345 = arith.index_cast %add3A_335 : i32 to index
      %get3A_346 = arith.constant 0 : index
      %get3A_347 = tpu.vector_load %arg17[%get3A_345, %get3A_346] {strides = array<i32>} : memref<640x16xf32, #tpu.memory_space<vmem>>, vector<1x16xf32>,
      %get3A_348 = vector.shape_cast %get3A_347 : vector<1x16xf32> to vector<16xf32>
      %add3A_349 = arith.addf %add3A_344, %get3A_348 : vector<16xf32>
      %swap3A_350 = arith.index_cast %add3A_335 : i32 to index
      %swap3A_351 = arith.constant 0 : index
      %swap3A_352 = tpu.vector_load %arg19[%swap3A_350, %swap3A_351] {strides = array<i32>} : memref<640x16xf32, #tpu.memory_space<vmem>>, vector<1x16xf32>,
      %swap3A_353 = vector.shape_cast %swap3A_352 : vector<1x16xf32> to vector<16xf32>
      %swap3A_354 = vector.shape_cast %add3A_349 : vector<16xf32> to vector<1x16xf32>
      tpu.vector_store %arg19[%swap3A_350, %swap3A_351], %swap3A_354 {strides = array<i32>} : memref<640x16xf32, #tpu.memory_space<vmem>>, vector<1x16xf32>,
      %mul3A_355 = arith.constant 16 : i32
      %mul3A_356 = arith.muli %scan3A_31, %mul3A_355 : i32
      %add3A_357 = arith.constant 14 : i32
      %add3A_358 = arith.addi %mul3A_356, %add3A_357 : i32
      %get3A_359 = arith.index_cast %add3A_358 : i32 to index
      %get3A_360 = arith.constant 0 : index
      %get3A_361 = tpu.vector_load %arg19[%get3A_359, %get3A_360] {strides = array<i32>} : memref<640x16xf32, #tpu.memory_space<vmem>>, vector<1x16xf32>,
      %get3A_362 = vector.shape_cast %get3A_361 : vector<1x16xf32> to vector<16xf32>
      %slice3A_363 = vector.extract_strided_slice %get3A_36 {offsets = [14], sizes = [1], strides = [1]} : vector<16xf32> to vector<1xf32>
      %squeeze3A_364 = vector.extract %slice3A_363[0] : f32 from vector<1xf32>
      %mul3A_365 = vector.broadcast %squeeze3A_364 : f32 to vector<16xf32>
      %mul3A_366 = arith.mulf %get3A_362, %mul3A_365 : vector<16xf32>
      %add3A_367 = arith.addf %mul3A_366, %get3A_24 : vector<16xf32>
      %get3A_368 = arith.index_cast %add3A_358 : i32 to index
      %get3A_369 = arith.constant 0 : index
      %get3A_370 = tpu.vector_load %arg17[%get3A_368, %get3A_369] {strides = array<i32>} : memref<640x16xf32, #tpu.memory_space<vmem>>, vector<1x16xf32>,
      %get3A_371 = vector.shape_cast %get3A_370 : vector<1x16xf32> to vector<16xf32>
      %add3A_372 = arith.addf %add3A_367, %get3A_371 : vector<16xf32>
      %swap3A_373 = arith.index_cast %add3A_358 : i32 to index
      %swap3A_374 = arith.constant 0 : index
      %swap3A_375 = tpu.vector_load %arg19[%swap3A_373, %swap3A_374] {strides = array<i32>} : memref<640x16xf32, #tpu.memory_space<vmem>>, vector<1x16xf32>,
      %swap3A_376 = vector.shape_cast %swap3A_375 : vector<1x16xf32> to vector<16xf32>
      %swap3A_377 = vector.shape_cast %add3A_372 : vector<16xf32> to vector<1x16xf32>
      tpu.vector_store %arg19[%swap3A_373, %swap3A_374], %swap3A_377 {strides = array<i32>} : memref<640x16xf32, #tpu.memory_space<vmem>>, vector<1x16xf32>,
      %mul3A_378 = arith.constant 16 : i32
      %mul3A_379 = arith.muli %scan3A_31, %mul3A_378 : i32
      %add3A_380 = arith.constant 15 : i32
      %add3A_381 = arith.addi %mul3A_379, %add3A_380 : i32
      %get3A_382 = arith.index_cast %add3A_381 : i32 to index
      %get3A_383 = arith.constant 0 : index
      %get3A_384 = tpu.vector_load %arg19[%get3A_382, %get3A_383] {strides = array<i32>} : memref<640x16xf32, #tpu.memory_space<vmem>>, vector<1x16xf32>,
      %get3A_385 = vector.shape_cast %get3A_384 : vector<1x16xf32> to vector<16xf32>
      %slice3A_386 = vector.extract_strided_slice %get3A_36 {offsets = [15], sizes = [1], strides = [1]} : vector<16xf32> to vector<1xf32>
      %squeeze3A_387 = vector.extract %slice3A_386[0] : f32 from vector<1xf32>
      %mul3A_388 = vector.broadcast %squeeze3A_387 : f32 to vector<16xf32>
      %mul3A_389 = arith.mulf %get3A_385, %mul3A_388 : vector<16xf32>
      %add3A_390 = arith.addf %mul3A_389, %get3A_24 : vector<16xf32>
      %get3A_391 = arith.index_cast %add3A_381 : i32 to index
      %get3A_392 = arith.constant 0 : index
      %get3A_393 = tpu.vector_load %arg17[%get3A_391, %get3A_392] {strides = array<i32>} : memref<640x16xf32, #tpu.memory_space<vmem>>, vector<1x16xf32>,
      %get3A_394 = vector.shape_cast %get3A_393 : vector<1x16xf32> to vector<16xf32>
      %add3A_395 = arith.addf %add3A_390, %get3A_394 : vector<16xf32>
      %swap3A_396 = arith.index_cast %add3A_381 : i32 to index
      %swap3A_397 = arith.constant 0 : index
      %swap3A_398 = tpu.vector_load %arg19[%swap3A_396, %swap3A_397] {strides = array<i32>} : memref<640x16xf32, #tpu.memory_space<vmem>>, vector<1x16xf32>,
      %swap3A_399 = vector.shape_cast %swap3A_398 : vector<1x16xf32> to vector<16xf32>
      %swap3A_400 = vector.shape_cast %add3A_395 : vector<16xf32> to vector<1x16xf32>
      tpu.vector_store %arg19[%swap3A_396, %swap3A_397], %swap3A_400 {strides = array<i32>} : memref<640x16xf32, #tpu.memory_space<vmem>>, vector<1x16xf32>,
    }
    %scan3A_30 = arith.constant 40 : i32
    "tpu.region"() ({
      %run_scoped3A = tpu.sem_alloc : memref<!tpu.dma_semaphore, #tpu.memory_space<semaphore_mem>>
      %dma_start3A_31 = tpu.memref_slice %arg9[%mul3A_0, %mul3A_2] : memref<10240x32xf32, #tpu.memory_space<hbm>> -> memref<640x16xf32, #tpu.memory_space<hbm>>
      %dma_start3A_32 = tpu.memref_slice %arg9[%mul3A_0, %mul3A_2] : memref<10240x32xf32, #tpu.memory_space<hbm>> -> memref<640x16xf32, #tpu.memory_space<hbm>>
      tpu.enqueue_dma source(%arg19 : memref<640x16xf32, #tpu.memory_space<vmem>>) target(%dma_start3A_32 : memref<640x16xf32, #tpu.memory_space<hbm>>) target_semaphore(%run_scoped3A : memref<!tpu.dma_semaphore, #tpu.memory_space<semaphore_mem>>)
      %dma_wait3A_33 = tpu.memref_slice %arg9[%mul3A_0, %mul3A_2] : memref<10240x32xf32, #tpu.memory_space<hbm>> -> memref<640x16xf32, #tpu.memory_space<hbm>>
      %dma_wait3A_34 = tpu.memref_slice %arg9[%mul3A_0, %mul3A_2] : memref<10240x32xf32, #tpu.memory_space<hbm>> -> memref<640x16xf32, #tpu.memory_space<hbm>>
      tpu.wait_dma2 semaphore(%run_scoped3A : memref<!tpu.dma_semaphore, #tpu.memory_space<semaphore_mem>>) src(%arg19 : memref<640x16xf32, #tpu.memory_space<vmem>>) dst(%dma_wait3A_34 : memref<640x16xf32, #tpu.memory_space<hbm>>)
      tpu.yield
    }) : () -> ()
    return
  }
}

#map = affine_map<(d0, d1) -> (0, 0)>
#map1 = affine_map<(d0, d1) -> (0, 0, 0)>
module attributes {stable_mosaic.version = 14 : i64} {
  func.func @_sc_segsum_l1(%arg0: i32, %arg1: i32, %arg2: memref<10240x80xf32, #tpu.memory_space<hbm>>, %arg3: memref<16x170x128xi32, #tpu.memory_space<hbm>>, %arg4: memref<16x160x128xi32, #tpu.memory_space<hbm>>, %arg5: memref<10240x40xf32, #tpu.memory_space<hbm>>, %arg6: memref<10240x80xf32, #tpu.memory_space<hbm>>, %arg7: memref<164x128xi32, #tpu.memory_space<vmem>>, %arg8: memref<160x128xi32, #tpu.memory_space<vmem>>, %arg9: memref<128x40xf32, #tpu.memory_space<vmem>>, %arg10: memref<128x40xf32, #tpu.memory_space<vmem>>, %arg11: memref<128x40xf32, #tpu.memory_space<vmem>>, %arg12: memref<128x40xf32, #tpu.memory_space<vmem>>, %arg13: memref<10240x40xf32, #tpu.memory_space<vmem_shared>>, %arg14: memref<10240x40xf32, #tpu.memory_space<vmem_shared>>, %arg15: memref<!tpu.dma_semaphore, #tpu.memory_space<semaphore_mem>>, %arg16: memref<!tpu.dma_semaphore, #tpu.memory_space<semaphore_mem>>, %arg17: memref<!tpu.dma_semaphore, #tpu.memory_space<semaphore_mem>>, %arg18: memref<!tpu.dma_semaphore, #tpu.memory_space<semaphore_mem>>, %arg19: memref<!tpu.dma_semaphore, #tpu.memory_space<semaphore_mem>>, %arg20: memref<!tpu.dma_semaphore, #tpu.memory_space<semaphore_mem>>, %arg21: memref<!tpu.dma_semaphore, #tpu.memory_space<semaphore_mem>>, %arg22: memref<!tpu.dma_semaphore, #tpu.memory_space<semaphore_mem>>) attributes {dimension_semantics = [#tpu.dimension_semantics<core_parallel>, #tpu.dimension_semantics<subcore_parallel>], iteration_bounds = array<i64: 2, 16>, scalar_prefetch = 0 : i64, scratch_operands = 16 : i64, tpu.core_type = #tpu.core_type<sc_vector_subcore>, window_params = [{transform_indices = #map}, {transform_indices = #map1}, {transform_indices = #map1}, {transform_indices = #map}, {transform_indices = #map}]} {
    %mul3A = arith.constant 640 : i32
    %mul3A_0 = arith.muli %arg1, %mul3A : i32
    %mul3A_1 = arith.constant 40 : i32
    %mul3A_2 = arith.muli %arg0, %mul3A_1 : i32
    "tpu.region"() ({
      %run_scoped3A = tpu.sem_alloc : memref<!tpu.dma_semaphore, #tpu.memory_space<semaphore_mem>>
      %dma_start3A_63 = arith.constant 0 : i32
      %dma_start3A_64 = tpu.memref_slice %arg13[%mul3A_0, %dma_start3A_63] : memref<10240x40xf32, #tpu.memory_space<vmem_shared>> -> memref<640x40xf32, #tpu.memory_space<vmem_shared>>
      %dma_start3A_65 = tpu.memref_slice %arg2[%mul3A_0, %mul3A_2] : memref<10240x80xf32, #tpu.memory_space<hbm>> -> memref<640x40xf32, #tpu.memory_space<hbm>>
      tpu.enqueue_dma source(%dma_start3A_65 : memref<640x40xf32, #tpu.memory_space<hbm>>) target(%dma_start3A_64 : memref<640x40xf32, #tpu.memory_space<vmem_shared>>) target_semaphore(%run_scoped3A : memref<!tpu.dma_semaphore, #tpu.memory_space<semaphore_mem>>)
      %dma_wait3A_66 = arith.constant 0 : i32
      %dma_wait3A_67 = tpu.memref_slice %arg13[%mul3A_0, %dma_wait3A_66] : memref<10240x40xf32, #tpu.memory_space<vmem_shared>> -> memref<640x40xf32, #tpu.memory_space<vmem_shared>>
      %dma_wait3A_68 = tpu.memref_slice %arg2[%mul3A_0, %mul3A_2] : memref<10240x80xf32, #tpu.memory_space<hbm>> -> memref<640x40xf32, #tpu.memory_space<hbm>>
      tpu.wait_dma2 semaphore(%run_scoped3A : memref<!tpu.dma_semaphore, #tpu.memory_space<semaphore_mem>>) src(%dma_wait3A_68 : memref<640x40xf32, #tpu.memory_space<hbm>>) dst(%dma_wait3A_67 : memref<640x40xf32, #tpu.memory_space<vmem_shared>>)
      tpu.yield
    }) : () -> ()
    "tpu.region"() ({
      %run_scoped3A = tpu.sem_alloc : memref<!tpu.dma_semaphore, #tpu.memory_space<semaphore_mem>>
      %dma_start3A_63 = arith.constant 0 : i32
      %dma_start3A_64 = tpu.memref_slice %arg14[%mul3A_0, %dma_start3A_63] : memref<10240x40xf32, #tpu.memory_space<vmem_shared>> -> memref<640x40xf32, #tpu.memory_space<vmem_shared>>
      %dma_start3A_65 = arith.constant 0 : i32
      %dma_start3A_66 = tpu.memref_slice %arg5[%mul3A_0, %dma_start3A_65] : memref<10240x40xf32, #tpu.memory_space<hbm>> -> memref<640x40xf32, #tpu.memory_space<hbm>>
      tpu.enqueue_dma source(%dma_start3A_66 : memref<640x40xf32, #tpu.memory_space<hbm>>) target(%dma_start3A_64 : memref<640x40xf32, #tpu.memory_space<vmem_shared>>) target_semaphore(%run_scoped3A : memref<!tpu.dma_semaphore, #tpu.memory_space<semaphore_mem>>)
      %dma_wait3A_67 = arith.constant 0 : i32
      %dma_wait3A_68 = tpu.memref_slice %arg14[%mul3A_0, %dma_wait3A_67] : memref<10240x40xf32, #tpu.memory_space<vmem_shared>> -> memref<640x40xf32, #tpu.memory_space<vmem_shared>>
      %dma_wait3A_69 = arith.constant 0 : i32
      %dma_wait3A_70 = tpu.memref_slice %arg5[%mul3A_0, %dma_wait3A_69] : memref<10240x40xf32, #tpu.memory_space<hbm>> -> memref<640x40xf32, #tpu.memory_space<hbm>>
      tpu.wait_dma2 semaphore(%run_scoped3A : memref<!tpu.dma_semaphore, #tpu.memory_space<semaphore_mem>>) src(%dma_wait3A_70 : memref<640x40xf32, #tpu.memory_space<hbm>>) dst(%dma_wait3A_68 : memref<640x40xf32, #tpu.memory_space<vmem_shared>>)
      tpu.yield
    }) : () -> ()
    "tpu.region"() ({
      %run_scoped3A = tpu.sem_alloc : memref<!tpu.dma_semaphore, #tpu.memory_space<semaphore_mem>>
      %dma_start3A_63 = arith.constant 0 : i32
      %dma_start3A_64 = arith.constant 0 : i32
      %dma_start3A_65 = tpu.memref_slice %arg3[%arg1, %dma_start3A_63, %dma_start3A_64] : memref<16x170x128xi32, #tpu.memory_space<hbm>> -> memref<1x164x128xi32, #tpu.memory_space<hbm>>
      %dma_start3A_66 = tpu.memref_squeeze %dma_start3A_65 : memref<1x164x128xi32, #tpu.memory_space<hbm>> -> memref<164x128xi32, #tpu.memory_space<hbm>>
      %dma_start3A_67 = arith.constant 0 : i32
      %dma_start3A_68 = arith.constant 0 : i32
      %dma_start3A_69 = tpu.memref_slice %arg3[%arg1, %dma_start3A_67, %dma_start3A_68] : memref<16x170x128xi32, #tpu.memory_space<hbm>> -> memref<1x164x128xi32, #tpu.memory_space<hbm>>
      %dma_start3A_70 = tpu.memref_squeeze %dma_start3A_69 : memref<1x164x128xi32, #tpu.memory_space<hbm>> -> memref<164x128xi32, #tpu.memory_space<hbm>>
      tpu.enqueue_dma source(%dma_start3A_70 : memref<164x128xi32, #tpu.memory_space<hbm>>) target(%arg7 : memref<164x128xi32, #tpu.memory_space<vmem>>) target_semaphore(%run_scoped3A : memref<!tpu.dma_semaphore, #tpu.memory_space<semaphore_mem>>)
      %dma_wait3A_71 = arith.constant 0 : i32
      %dma_wait3A_72 = arith.constant 0 : i32
      %dma_wait3A_73 = tpu.memref_slice %arg3[%arg1, %dma_wait3A_71, %dma_wait3A_72] : memref<16x170x128xi32, #tpu.memory_space<hbm>> -> memref<1x164x128xi32, #tpu.memory_space<hbm>>
      %dma_wait3A_74 = tpu.memref_squeeze %dma_wait3A_73 : memref<1x164x128xi32, #tpu.memory_space<hbm>> -> memref<164x128xi32, #tpu.memory_space<hbm>>
      %dma_wait3A_75 = arith.constant 0 : i32
      %dma_wait3A_76 = arith.constant 0 : i32
      %dma_wait3A_77 = tpu.memref_slice %arg3[%arg1, %dma_wait3A_75, %dma_wait3A_76] : memref<16x170x128xi32, #tpu.memory_space<hbm>> -> memref<1x164x128xi32, #tpu.memory_space<hbm>>
      %dma_wait3A_78 = tpu.memref_squeeze %dma_wait3A_77 : memref<1x164x128xi32, #tpu.memory_space<hbm>> -> memref<164x128xi32, #tpu.memory_space<hbm>>
      tpu.wait_dma2 semaphore(%run_scoped3A : memref<!tpu.dma_semaphore, #tpu.memory_space<semaphore_mem>>) src(%dma_wait3A_78 : memref<164x128xi32, #tpu.memory_space<hbm>>) dst(%arg7 : memref<164x128xi32, #tpu.memory_space<vmem>>)
      tpu.yield
    }) : () -> ()
    "tpu.region"() ({
      %run_scoped3A = tpu.sem_alloc : memref<!tpu.dma_semaphore, #tpu.memory_space<semaphore_mem>>
      %dma_start3A_63 = arith.constant 0 : i32
      %dma_start3A_64 = arith.constant 0 : i32
      %dma_start3A_65 = tpu.memref_slice %arg4[%arg1, %dma_start3A_63, %dma_start3A_64] : memref<16x160x128xi32, #tpu.memory_space<hbm>> -> memref<1x160x128xi32, #tpu.memory_space<hbm>>
      %dma_start3A_66 = tpu.memref_squeeze %dma_start3A_65 : memref<1x160x128xi32, #tpu.memory_space<hbm>> -> memref<160x128xi32, #tpu.memory_space<hbm>>
      %dma_start3A_67 = arith.constant 0 : i32
      %dma_start3A_68 = arith.constant 0 : i32
      %dma_start3A_69 = tpu.memref_slice %arg4[%arg1, %dma_start3A_67, %dma_start3A_68] : memref<16x160x128xi32, #tpu.memory_space<hbm>> -> memref<1x160x128xi32, #tpu.memory_space<hbm>>
      %dma_start3A_70 = tpu.memref_squeeze %dma_start3A_69 : memref<1x160x128xi32, #tpu.memory_space<hbm>> -> memref<160x128xi32, #tpu.memory_space<hbm>>
      tpu.enqueue_dma source(%dma_start3A_70 : memref<160x128xi32, #tpu.memory_space<hbm>>) target(%arg8 : memref<160x128xi32, #tpu.memory_space<vmem>>) target_semaphore(%run_scoped3A : memref<!tpu.dma_semaphore, #tpu.memory_space<semaphore_mem>>)
      %dma_wait3A_71 = arith.constant 0 : i32
      %dma_wait3A_72 = arith.constant 0 : i32
      %dma_wait3A_73 = tpu.memref_slice %arg4[%arg1, %dma_wait3A_71, %dma_wait3A_72] : memref<16x160x128xi32, #tpu.memory_space<hbm>> -> memref<1x160x128xi32, #tpu.memory_space<hbm>>
      %dma_wait3A_74 = tpu.memref_squeeze %dma_wait3A_73 : memref<1x160x128xi32, #tpu.memory_space<hbm>> -> memref<160x128xi32, #tpu.memory_space<hbm>>
      %dma_wait3A_75 = arith.constant 0 : i32
      %dma_wait3A_76 = arith.constant 0 : i32
      %dma_wait3A_77 = tpu.memref_slice %arg4[%arg1, %dma_wait3A_75, %dma_wait3A_76] : memref<16x160x128xi32, #tpu.memory_space<hbm>> -> memref<1x160x128xi32, #tpu.memory_space<hbm>>
      %dma_wait3A_78 = tpu.memref_squeeze %dma_wait3A_77 : memref<1x160x128xi32, #tpu.memory_space<hbm>> -> memref<160x128xi32, #tpu.memory_space<hbm>>
      tpu.wait_dma2 semaphore(%run_scoped3A : memref<!tpu.dma_semaphore, #tpu.memory_space<semaphore_mem>>) src(%dma_wait3A_78 : memref<160x128xi32, #tpu.memory_space<hbm>>) dst(%arg8 : memref<160x128xi32, #tpu.memory_space<vmem>>)
      tpu.yield
    }) : () -> ()
    %barrier3A = arith.constant 0 : index
    tpu.barrier barrier_id(%barrier3A)
    %dma_start3A = arith.constant 0 : i32
    %dma_start3A_3 = arith.constant 0 : i32
    %dma_start3A_4 = tpu.memref_slice %arg7[%dma_start3A, %dma_start3A_3] : memref<164x128xi32, #tpu.memory_space<vmem>> -> memref<1x128xi32, #tpu.memory_space<vmem>>
    %dma_start3A_5 = tpu.memref_squeeze %dma_start3A_4 : memref<1x128xi32, #tpu.memory_space<vmem>> -> memref<128xi32, #tpu.memory_space<vmem>>
    %dma_start3A_6 = arith.constant 0 : i32
    %dma_start3A_7 = arith.constant 0 : i32
    %dma_start3A_8 = tpu.memref_slice %arg13[%dma_start3A_6, %dma_start3A_7] : memref<10240x40xf32, #tpu.memory_space<vmem_shared>> -> memref<10240x40xf32, #tpu.memory_space<vmem_shared>>
    tpu.enqueue_indirect_dma source(%dma_start3A_8 : memref<10240x40xf32, #tpu.memory_space<vmem_shared>>) target(%arg9 : memref<128x40xf32, #tpu.memory_space<vmem>>) offsets(%dma_start3A_5 : memref<128xi32, #tpu.memory_space<vmem>>) semaphore(%arg15 : memref<!tpu.dma_semaphore, #tpu.memory_space<semaphore_mem>>)
    %dma_start3A_9 = arith.constant 1 : i32
    %dma_start3A_10 = arith.constant 0 : i32
    %dma_start3A_11 = tpu.memref_slice %arg7[%dma_start3A_9, %dma_start3A_10] : memref<164x128xi32, #tpu.memory_space<vmem>> -> memref<1x128xi32, #tpu.memory_space<vmem>>
    %dma_start3A_12 = tpu.memref_squeeze %dma_start3A_11 : memref<1x128xi32, #tpu.memory_space<vmem>> -> memref<128xi32, #tpu.memory_space<vmem>>
    %dma_start3A_13 = arith.constant 0 : i32
    %dma_start3A_14 = arith.constant 0 : i32
    %dma_start3A_15 = tpu.memref_slice %arg13[%dma_start3A_13, %dma_start3A_14] : memref<10240x40xf32, #tpu.memory_space<vmem_shared>> -> memref<10240x40xf32, #tpu.memory_space<vmem_shared>>
    tpu.enqueue_indirect_dma source(%dma_start3A_15 : memref<10240x40xf32, #tpu.memory_space<vmem_shared>>) target(%arg10 : memref<128x40xf32, #tpu.memory_space<vmem>>) offsets(%dma_start3A_12 : memref<128xi32, #tpu.memory_space<vmem>>) semaphore(%arg16 : memref<!tpu.dma_semaphore, #tpu.memory_space<semaphore_mem>>)
    %dma_start3A_16 = arith.constant 2 : i32
    %dma_start3A_17 = arith.constant 0 : i32
    %dma_start3A_18 = tpu.memref_slice %arg7[%dma_start3A_16, %dma_start3A_17] : memref<164x128xi32, #tpu.memory_space<vmem>> -> memref<1x128xi32, #tpu.memory_space<vmem>>
    %dma_start3A_19 = tpu.memref_squeeze %dma_start3A_18 : memref<1x128xi32, #tpu.memory_space<vmem>> -> memref<128xi32, #tpu.memory_space<vmem>>
    %dma_start3A_20 = arith.constant 0 : i32
    %dma_start3A_21 = arith.constant 0 : i32
    %dma_start3A_22 = tpu.memref_slice %arg13[%dma_start3A_20, %dma_start3A_21] : memref<10240x40xf32, #tpu.memory_space<vmem_shared>> -> memref<10240x40xf32, #tpu.memory_space<vmem_shared>>
    tpu.enqueue_indirect_dma source(%dma_start3A_22 : memref<10240x40xf32, #tpu.memory_space<vmem_shared>>) target(%arg11 : memref<128x40xf32, #tpu.memory_space<vmem>>) offsets(%dma_start3A_19 : memref<128xi32, #tpu.memory_space<vmem>>) semaphore(%arg17 : memref<!tpu.dma_semaphore, #tpu.memory_space<semaphore_mem>>)
    %dma_start3A_23 = arith.constant 3 : i32
    %dma_start3A_24 = arith.constant 0 : i32
    %dma_start3A_25 = tpu.memref_slice %arg7[%dma_start3A_23, %dma_start3A_24] : memref<164x128xi32, #tpu.memory_space<vmem>> -> memref<1x128xi32, #tpu.memory_space<vmem>>
    %dma_start3A_26 = tpu.memref_squeeze %dma_start3A_25 : memref<1x128xi32, #tpu.memory_space<vmem>> -> memref<128xi32, #tpu.memory_space<vmem>>
    %dma_start3A_27 = arith.constant 0 : i32
    %dma_start3A_28 = arith.constant 0 : i32
    %dma_start3A_29 = tpu.memref_slice %arg13[%dma_start3A_27, %dma_start3A_28] : memref<10240x40xf32, #tpu.memory_space<vmem_shared>> -> memref<10240x40xf32, #tpu.memory_space<vmem_shared>>
    tpu.enqueue_indirect_dma source(%dma_start3A_29 : memref<10240x40xf32, #tpu.memory_space<vmem_shared>>) target(%arg12 : memref<128x40xf32, #tpu.memory_space<vmem>>) offsets(%dma_start3A_26 : memref<128xi32, #tpu.memory_space<vmem>>) semaphore(%arg18 : memref<!tpu.dma_semaphore, #tpu.memory_space<semaphore_mem>>)
    %scan3A = arith.constant 0 : i32
    %scan3A_30 = arith.constant 0 : i32
    %scan3A_31 = arith.constant 40 : i32
    %scan3A_32 = arith.addi %scan3A_30, %scan3A_31 : i32
    %scan3A_33 = arith.constant 1 : i32
    scf.for %scan3A_63 = %scan3A_30 to %scan3A_32 step %scan3A_33  : i32 {
      %mul3A_64 = arith.constant 4 : i32
      %mul3A_65 = arith.muli %mul3A_64, %scan3A_63 : i32
      %add3A = arith.constant 0 : i32
      %add3A_66 = arith.addi %mul3A_65, %add3A : i32
      %dma_wait3A_67 = arith.constant 0 : i32
      %dma_wait3A_68 = tpu.memref_slice %arg7[%add3A_66, %dma_wait3A_67] : memref<164x128xi32, #tpu.memory_space<vmem>> -> memref<1x128xi32, #tpu.memory_space<vmem>>
      %dma_wait3A_69 = tpu.memref_squeeze %dma_wait3A_68 : memref<1x128xi32, #tpu.memory_space<vmem>> -> memref<128xi32, #tpu.memory_space<vmem>>
      %dma_wait3A_70 = arith.constant 0 : i32
      %dma_wait3A_71 = arith.constant 0 : i32
      %dma_wait3A_72 = tpu.memref_slice %arg13[%dma_wait3A_70, %dma_wait3A_71] : memref<10240x40xf32, #tpu.memory_space<vmem_shared>> -> memref<10240x40xf32, #tpu.memory_space<vmem_shared>>
      tpu.wait_indirect_dma semaphore(%arg15 : memref<!tpu.dma_semaphore, #tpu.memory_space<semaphore_mem>>) src(%dma_wait3A_72 : memref<10240x40xf32, #tpu.memory_space<vmem_shared>>) dst(%arg9 : memref<128x40xf32, #tpu.memory_space<vmem>>)
      %add3A_73 = arith.constant 0 : i32
      %add3A_74 = arith.addi %mul3A_65, %add3A_73 : i32
      %dma_start3A_75 = arith.constant 0 : i32
      %dma_start3A_76 = tpu.memref_slice %arg8[%add3A_74, %dma_start3A_75] : memref<160x128xi32, #tpu.memory_space<vmem>> -> memref<1x128xi32, #tpu.memory_space<vmem>>
      %dma_start3A_77 = tpu.memref_squeeze %dma_start3A_76 : memref<1x128xi32, #tpu.memory_space<vmem>> -> memref<128xi32, #tpu.memory_space<vmem>>
      %dma_start3A_78 = arith.constant 0 : i32
      %dma_start3A_79 = arith.constant 0 : i32
      %dma_start3A_80 = tpu.memref_slice %arg14[%dma_start3A_78, %dma_start3A_79] : memref<10240x40xf32, #tpu.memory_space<vmem_shared>> -> memref<10240x40xf32, #tpu.memory_space<vmem_shared>>
      tpu.enqueue_indirect_dma source(%arg9 : memref<128x40xf32, #tpu.memory_space<vmem>>) target(%dma_start3A_80 : memref<10240x40xf32, #tpu.memory_space<vmem_shared>>) offsets(%dma_start3A_77 : memref<128xi32, #tpu.memory_space<vmem>>) semaphore(%arg19 : memref<!tpu.dma_semaphore, #tpu.memory_space<semaphore_mem>>) {add = true}
      %add3A_81 = arith.constant 1 : i32
      %add3A_82 = arith.addi %mul3A_65, %add3A_81 : i32
      %dma_wait3A_83 = arith.constant 0 : i32
      %dma_wait3A_84 = tpu.memref_slice %arg7[%add3A_82, %dma_wait3A_83] : memref<164x128xi32, #tpu.memory_space<vmem>> -> memref<1x128xi32, #tpu.memory_space<vmem>>
      %dma_wait3A_85 = tpu.memref_squeeze %dma_wait3A_84 : memref<1x128xi32, #tpu.memory_space<vmem>> -> memref<128xi32, #tpu.memory_space<vmem>>
      %dma_wait3A_86 = arith.constant 0 : i32
      %dma_wait3A_87 = arith.constant 0 : i32
      %dma_wait3A_88 = tpu.memref_slice %arg13[%dma_wait3A_86, %dma_wait3A_87] : memref<10240x40xf32, #tpu.memory_space<vmem_shared>> -> memref<10240x40xf32, #tpu.memory_space<vmem_shared>>
      tpu.wait_indirect_dma semaphore(%arg16 : memref<!tpu.dma_semaphore, #tpu.memory_space<semaphore_mem>>) src(%dma_wait3A_88 : memref<10240x40xf32, #tpu.memory_space<vmem_shared>>) dst(%arg10 : memref<128x40xf32, #tpu.memory_space<vmem>>)
      %add3A_89 = arith.constant 1 : i32
      %add3A_90 = arith.addi %mul3A_65, %add3A_89 : i32
      %dma_start3A_91 = arith.constant 0 : i32
      %dma_start3A_92 = tpu.memref_slice %arg8[%add3A_90, %dma_start3A_91] : memref<160x128xi32, #tpu.memory_space<vmem>> -> memref<1x128xi32, #tpu.memory_space<vmem>>
      %dma_start3A_93 = tpu.memref_squeeze %dma_start3A_92 : memref<1x128xi32, #tpu.memory_space<vmem>> -> memref<128xi32, #tpu.memory_space<vmem>>
      %dma_start3A_94 = arith.constant 0 : i32
      %dma_start3A_95 = arith.constant 0 : i32
      %dma_start3A_96 = tpu.memref_slice %arg14[%dma_start3A_94, %dma_start3A_95] : memref<10240x40xf32, #tpu.memory_space<vmem_shared>> -> memref<10240x40xf32, #tpu.memory_space<vmem_shared>>
      tpu.enqueue_indirect_dma source(%arg10 : memref<128x40xf32, #tpu.memory_space<vmem>>) target(%dma_start3A_96 : memref<10240x40xf32, #tpu.memory_space<vmem_shared>>) offsets(%dma_start3A_93 : memref<128xi32, #tpu.memory_space<vmem>>) semaphore(%arg20 : memref<!tpu.dma_semaphore, #tpu.memory_space<semaphore_mem>>) {add = true}
      %add3A_97 = arith.constant 2 : i32
      %add3A_98 = arith.addi %mul3A_65, %add3A_97 : i32
      %dma_wait3A_99 = arith.constant 0 : i32
      %dma_wait3A_100 = tpu.memref_slice %arg7[%add3A_98, %dma_wait3A_99] : memref<164x128xi32, #tpu.memory_space<vmem>> -> memref<1x128xi32, #tpu.memory_space<vmem>>
      %dma_wait3A_101 = tpu.memref_squeeze %dma_wait3A_100 : memref<1x128xi32, #tpu.memory_space<vmem>> -> memref<128xi32, #tpu.memory_space<vmem>>
      %dma_wait3A_102 = arith.constant 0 : i32
      %dma_wait3A_103 = arith.constant 0 : i32
      %dma_wait3A_104 = tpu.memref_slice %arg13[%dma_wait3A_102, %dma_wait3A_103] : memref<10240x40xf32, #tpu.memory_space<vmem_shared>> -> memref<10240x40xf32, #tpu.memory_space<vmem_shared>>
      tpu.wait_indirect_dma semaphore(%arg17 : memref<!tpu.dma_semaphore, #tpu.memory_space<semaphore_mem>>) src(%dma_wait3A_104 : memref<10240x40xf32, #tpu.memory_space<vmem_shared>>) dst(%arg11 : memref<128x40xf32, #tpu.memory_space<vmem>>)
      %add3A_105 = arith.constant 2 : i32
      %add3A_106 = arith.addi %mul3A_65, %add3A_105 : i32
      %dma_start3A_107 = arith.constant 0 : i32
      %dma_start3A_108 = tpu.memref_slice %arg8[%add3A_106, %dma_start3A_107] : memref<160x128xi32, #tpu.memory_space<vmem>> -> memref<1x128xi32, #tpu.memory_space<vmem>>
      %dma_start3A_109 = tpu.memref_squeeze %dma_start3A_108 : memref<1x128xi32, #tpu.memory_space<vmem>> -> memref<128xi32, #tpu.memory_space<vmem>>
      %dma_start3A_110 = arith.constant 0 : i32
      %dma_start3A_111 = arith.constant 0 : i32
      %dma_start3A_112 = tpu.memref_slice %arg14[%dma_start3A_110, %dma_start3A_111] : memref<10240x40xf32, #tpu.memory_space<vmem_shared>> -> memref<10240x40xf32, #tpu.memory_space<vmem_shared>>
      tpu.enqueue_indirect_dma source(%arg11 : memref<128x40xf32, #tpu.memory_space<vmem>>) target(%dma_start3A_112 : memref<10240x40xf32, #tpu.memory_space<vmem_shared>>) offsets(%dma_start3A_109 : memref<128xi32, #tpu.memory_space<vmem>>) semaphore(%arg21 : memref<!tpu.dma_semaphore, #tpu.memory_space<semaphore_mem>>) {add = true}
      %add3A_113 = arith.constant 3 : i32
      %add3A_114 = arith.addi %mul3A_65, %add3A_113 : i32
      %dma_wait3A_115 = arith.constant 0 : i32
      %dma_wait3A_116 = tpu.memref_slice %arg7[%add3A_114, %dma_wait3A_115] : memref<164x128xi32, #tpu.memory_space<vmem>> -> memref<1x128xi32, #tpu.memory_space<vmem>>
      %dma_wait3A_117 = tpu.memref_squeeze %dma_wait3A_116 : memref<1x128xi32, #tpu.memory_space<vmem>> -> memref<128xi32, #tpu.memory_space<vmem>>
      %dma_wait3A_118 = arith.constant 0 : i32
      %dma_wait3A_119 = arith.constant 0 : i32
      %dma_wait3A_120 = tpu.memref_slice %arg13[%dma_wait3A_118, %dma_wait3A_119] : memref<10240x40xf32, #tpu.memory_space<vmem_shared>> -> memref<10240x40xf32, #tpu.memory_space<vmem_shared>>
      tpu.wait_indirect_dma semaphore(%arg18 : memref<!tpu.dma_semaphore, #tpu.memory_space<semaphore_mem>>) src(%dma_wait3A_120 : memref<10240x40xf32, #tpu.memory_space<vmem_shared>>) dst(%arg12 : memref<128x40xf32, #tpu.memory_space<vmem>>)
      %add3A_121 = arith.constant 3 : i32
      %add3A_122 = arith.addi %mul3A_65, %add3A_121 : i32
      %dma_start3A_123 = arith.constant 0 : i32
      %dma_start3A_124 = tpu.memref_slice %arg8[%add3A_122, %dma_start3A_123] : memref<160x128xi32, #tpu.memory_space<vmem>> -> memref<1x128xi32, #tpu.memory_space<vmem>>
      %dma_start3A_125 = tpu.memref_squeeze %dma_start3A_124 : memref<1x128xi32, #tpu.memory_space<vmem>> -> memref<128xi32, #tpu.memory_space<vmem>>
      %dma_start3A_126 = arith.constant 0 : i32
      %dma_start3A_127 = arith.constant 0 : i32
      %dma_start3A_128 = tpu.memref_slice %arg14[%dma_start3A_126, %dma_start3A_127] : memref<10240x40xf32, #tpu.memory_space<vmem_shared>> -> memref<10240x40xf32, #tpu.memory_space<vmem_shared>>
      tpu.enqueue_indirect_dma source(%arg12 : memref<128x40xf32, #tpu.memory_space<vmem>>) target(%dma_start3A_128 : memref<10240x40xf32, #tpu.memory_space<vmem_shared>>) offsets(%dma_start3A_125 : memref<128xi32, #tpu.memory_space<vmem>>) semaphore(%arg22 : memref<!tpu.dma_semaphore, #tpu.memory_space<semaphore_mem>>) {add = true}
      %dma_wait3A_129 = arith.constant 0 : i32
      %dma_wait3A_130 = tpu.memref_slice %arg8[%add3A_74, %dma_wait3A_129] : memref<160x128xi32, #tpu.memory_space<vmem>> -> memref<1x128xi32, #tpu.memory_space<vmem>>
      %dma_wait3A_131 = tpu.memref_squeeze %dma_wait3A_130 : memref<1x128xi32, #tpu.memory_space<vmem>> -> memref<128xi32, #tpu.memory_space<vmem>>
      %dma_wait3A_132 = arith.constant 0 : i32
      %dma_wait3A_133 = arith.constant 0 : i32
      %dma_wait3A_134 = tpu.memref_slice %arg14[%dma_wait3A_132, %dma_wait3A_133] : memref<10240x40xf32, #tpu.memory_space<vmem_shared>> -> memref<10240x40xf32, #tpu.memory_space<vmem_shared>>
      tpu.wait_indirect_dma semaphore(%arg19 : memref<!tpu.dma_semaphore, #tpu.memory_space<semaphore_mem>>) src(%arg9 : memref<128x40xf32, #tpu.memory_space<vmem>>) dst(%dma_wait3A_134 : memref<10240x40xf32, #tpu.memory_space<vmem_shared>>)
      %add3A_135 = arith.constant 4 : i32
      %add3A_136 = arith.addi %mul3A_65, %add3A_135 : i32
      %add3A_137 = arith.constant 0 : i32
      %add3A_138 = arith.addi %add3A_136, %add3A_137 : i32
      %dma_start3A_139 = arith.constant 0 : i32
      %dma_start3A_140 = tpu.memref_slice %arg7[%add3A_138, %dma_start3A_139] : memref<164x128xi32, #tpu.memory_space<vmem>> -> memref<1x128xi32, #tpu.memory_space<vmem>>
      %dma_start3A_141 = tpu.memref_squeeze %dma_start3A_140 : memref<1x128xi32, #tpu.memory_space<vmem>> -> memref<128xi32, #tpu.memory_space<vmem>>
      %dma_start3A_142 = arith.constant 0 : i32
      %dma_start3A_143 = arith.constant 0 : i32
      %dma_start3A_144 = tpu.memref_slice %arg13[%dma_start3A_142, %dma_start3A_143] : memref<10240x40xf32, #tpu.memory_space<vmem_shared>> -> memref<10240x40xf32, #tpu.memory_space<vmem_shared>>
      tpu.enqueue_indirect_dma source(%dma_start3A_144 : memref<10240x40xf32, #tpu.memory_space<vmem_shared>>) target(%arg9 : memref<128x40xf32, #tpu.memory_space<vmem>>) offsets(%dma_start3A_141 : memref<128xi32, #tpu.memory_space<vmem>>) semaphore(%arg15 : memref<!tpu.dma_semaphore, #tpu.memory_space<semaphore_mem>>)
      %dma_wait3A_145 = arith.constant 0 : i32
      %dma_wait3A_146 = tpu.memref_slice %arg8[%add3A_90, %dma_wait3A_145] : memref<160x128xi32, #tpu.memory_space<vmem>> -> memref<1x128xi32, #tpu.memory_space<vmem>>
      %dma_wait3A_147 = tpu.memref_squeeze %dma_wait3A_146 : memref<1x128xi32, #tpu.memory_space<vmem>> -> memref<128xi32, #tpu.memory_space<vmem>>
      %dma_wait3A_148 = arith.constant 0 : i32
      %dma_wait3A_149 = arith.constant 0 : i32
      %dma_wait3A_150 = tpu.memref_slice %arg14[%dma_wait3A_148, %dma_wait3A_149] : memref<10240x40xf32, #tpu.memory_space<vmem_shared>> -> memref<10240x40xf32, #tpu.memory_space<vmem_shared>>
      tpu.wait_indirect_dma semaphore(%arg20 : memref<!tpu.dma_semaphore, #tpu.memory_space<semaphore_mem>>) src(%arg10 : memref<128x40xf32, #tpu.memory_space<vmem>>) dst(%dma_wait3A_150 : memref<10240x40xf32, #tpu.memory_space<vmem_shared>>)
      %add3A_151 = arith.constant 4 : i32
      %add3A_152 = arith.addi %mul3A_65, %add3A_151 : i32
      %add3A_153 = arith.constant 1 : i32
      %add3A_154 = arith.addi %add3A_152, %add3A_153 : i32
      %dma_start3A_155 = arith.constant 0 : i32
      %dma_start3A_156 = tpu.memref_slice %arg7[%add3A_154, %dma_start3A_155] : memref<164x128xi32, #tpu.memory_space<vmem>> -> memref<1x128xi32, #tpu.memory_space<vmem>>
      %dma_start3A_157 = tpu.memref_squeeze %dma_start3A_156 : memref<1x128xi32, #tpu.memory_space<vmem>> -> memref<128xi32, #tpu.memory_space<vmem>>
      %dma_start3A_158 = arith.constant 0 : i32
      %dma_start3A_159 = arith.constant 0 : i32
      %dma_start3A_160 = tpu.memref_slice %arg13[%dma_start3A_158, %dma_start3A_159] : memref<10240x40xf32, #tpu.memory_space<vmem_shared>> -> memref<10240x40xf32, #tpu.memory_space<vmem_shared>>
      tpu.enqueue_indirect_dma source(%dma_start3A_160 : memref<10240x40xf32, #tpu.memory_space<vmem_shared>>) target(%arg10 : memref<128x40xf32, #tpu.memory_space<vmem>>) offsets(%dma_start3A_157 : memref<128xi32, #tpu.memory_space<vmem>>) semaphore(%arg16 : memref<!tpu.dma_semaphore, #tpu.memory_space<semaphore_mem>>)
      %dma_wait3A_161 = arith.constant 0 : i32
      %dma_wait3A_162 = tpu.memref_slice %arg8[%add3A_106, %dma_wait3A_161] : memref<160x128xi32, #tpu.memory_space<vmem>> -> memref<1x128xi32, #tpu.memory_space<vmem>>
      %dma_wait3A_163 = tpu.memref_squeeze %dma_wait3A_162 : memref<1x128xi32, #tpu.memory_space<vmem>> -> memref<128xi32, #tpu.memory_space<vmem>>
      %dma_wait3A_164 = arith.constant 0 : i32
      %dma_wait3A_165 = arith.constant 0 : i32
      %dma_wait3A_166 = tpu.memref_slice %arg14[%dma_wait3A_164, %dma_wait3A_165] : memref<10240x40xf32, #tpu.memory_space<vmem_shared>> -> memref<10240x40xf32, #tpu.memory_space<vmem_shared>>
      tpu.wait_indirect_dma semaphore(%arg21 : memref<!tpu.dma_semaphore, #tpu.memory_space<semaphore_mem>>) src(%arg11 : memref<128x40xf32, #tpu.memory_space<vmem>>) dst(%dma_wait3A_166 : memref<10240x40xf32, #tpu.memory_space<vmem_shared>>)
      %add3A_167 = arith.constant 4 : i32
      %add3A_168 = arith.addi %mul3A_65, %add3A_167 : i32
      %add3A_169 = arith.constant 2 : i32
      %add3A_170 = arith.addi %add3A_168, %add3A_169 : i32
      %dma_start3A_171 = arith.constant 0 : i32
      %dma_start3A_172 = tpu.memref_slice %arg7[%add3A_170, %dma_start3A_171] : memref<164x128xi32, #tpu.memory_space<vmem>> -> memref<1x128xi32, #tpu.memory_space<vmem>>
      %dma_start3A_173 = tpu.memref_squeeze %dma_start3A_172 : memref<1x128xi32, #tpu.memory_space<vmem>> -> memref<128xi32, #tpu.memory_space<vmem>>
      %dma_start3A_174 = arith.constant 0 : i32
      %dma_start3A_175 = arith.constant 0 : i32
      %dma_start3A_176 = tpu.memref_slice %arg13[%dma_start3A_174, %dma_start3A_175] : memref<10240x40xf32, #tpu.memory_space<vmem_shared>> -> memref<10240x40xf32, #tpu.memory_space<vmem_shared>>
      tpu.enqueue_indirect_dma source(%dma_start3A_176 : memref<10240x40xf32, #tpu.memory_space<vmem_shared>>) target(%arg11 : memref<128x40xf32, #tpu.memory_space<vmem>>) offsets(%dma_start3A_173 : memref<128xi32, #tpu.memory_space<vmem>>) semaphore(%arg17 : memref<!tpu.dma_semaphore, #tpu.memory_space<semaphore_mem>>)
      %dma_wait3A_177 = arith.constant 0 : i32
      %dma_wait3A_178 = tpu.memref_slice %arg8[%add3A_122, %dma_wait3A_177] : memref<160x128xi32, #tpu.memory_space<vmem>> -> memref<1x128xi32, #tpu.memory_space<vmem>>
      %dma_wait3A_179 = tpu.memref_squeeze %dma_wait3A_178 : memref<1x128xi32, #tpu.memory_space<vmem>> -> memref<128xi32, #tpu.memory_space<vmem>>
      %dma_wait3A_180 = arith.constant 0 : i32
      %dma_wait3A_181 = arith.constant 0 : i32
      %dma_wait3A_182 = tpu.memref_slice %arg14[%dma_wait3A_180, %dma_wait3A_181] : memref<10240x40xf32, #tpu.memory_space<vmem_shared>> -> memref<10240x40xf32, #tpu.memory_space<vmem_shared>>
      tpu.wait_indirect_dma semaphore(%arg22 : memref<!tpu.dma_semaphore, #tpu.memory_space<semaphore_mem>>) src(%arg12 : memref<128x40xf32, #tpu.memory_space<vmem>>) dst(%dma_wait3A_182 : memref<10240x40xf32, #tpu.memory_space<vmem_shared>>)
      %add3A_183 = arith.constant 4 : i32
      %add3A_184 = arith.addi %mul3A_65, %add3A_183 : i32
      %add3A_185 = arith.constant 3 : i32
      %add3A_186 = arith.addi %add3A_184, %add3A_185 : i32
      %dma_start3A_187 = arith.constant 0 : i32
      %dma_start3A_188 = tpu.memref_slice %arg7[%add3A_186, %dma_start3A_187] : memref<164x128xi32, #tpu.memory_space<vmem>> -> memref<1x128xi32, #tpu.memory_space<vmem>>
      %dma_start3A_189 = tpu.memref_squeeze %dma_start3A_188 : memref<1x128xi32, #tpu.memory_space<vmem>> -> memref<128xi32, #tpu.memory_space<vmem>>
      %dma_start3A_190 = arith.constant 0 : i32
      %dma_start3A_191 = arith.constant 0 : i32
      %dma_start3A_192 = tpu.memref_slice %arg13[%dma_start3A_190, %dma_start3A_191] : memref<10240x40xf32, #tpu.memory_space<vmem_shared>> -> memref<10240x40xf32, #tpu.memory_space<vmem_shared>>
      tpu.enqueue_indirect_dma source(%dma_start3A_192 : memref<10240x40xf32, #tpu.memory_space<vmem_shared>>) target(%arg12 : memref<128x40xf32, #tpu.memory_space<vmem>>) offsets(%dma_start3A_189 : memref<128xi32, #tpu.memory_space<vmem>>) semaphore(%arg18 : memref<!tpu.dma_semaphore, #tpu.memory_space<semaphore_mem>>)
    }
    %scan3A_34 = arith.constant 40 : i32
    %dma_wait3A = arith.constant 160 : i32
    %dma_wait3A_35 = arith.constant 0 : i32
    %dma_wait3A_36 = tpu.memref_slice %arg7[%dma_wait3A, %dma_wait3A_35] : memref<164x128xi32, #tpu.memory_space<vmem>> -> memref<1x128xi32, #tpu.memory_space<vmem>>
    %dma_wait3A_37 = tpu.memref_squeeze %dma_wait3A_36 : memref<1x128xi32, #tpu.memory_space<vmem>> -> memref<128xi32, #tpu.memory_space<vmem>>
    %dma_wait3A_38 = arith.constant 0 : i32
    %dma_wait3A_39 = arith.constant 0 : i32
    %dma_wait3A_40 = tpu.memref_slice %arg13[%dma_wait3A_38, %dma_wait3A_39] : memref<10240x40xf32, #tpu.memory_space<vmem_shared>> -> memref<10240x40xf32, #tpu.memory_space<vmem_shared>>
    tpu.wait_indirect_dma semaphore(%arg15 : memref<!tpu.dma_semaphore, #tpu.memory_space<semaphore_mem>>) src(%dma_wait3A_40 : memref<10240x40xf32, #tpu.memory_space<vmem_shared>>) dst(%arg9 : memref<128x40xf32, #tpu.memory_space<vmem>>)
    %dma_wait3A_41 = arith.constant 161 : i32
    %dma_wait3A_42 = arith.constant 0 : i32
    %dma_wait3A_43 = tpu.memref_slice %arg7[%dma_wait3A_41, %dma_wait3A_42] : memref<164x128xi32, #tpu.memory_space<vmem>> -> memref<1x128xi32, #tpu.memory_space<vmem>>
    %dma_wait3A_44 = tpu.memref_squeeze %dma_wait3A_43 : memref<1x128xi32, #tpu.memory_space<vmem>> -> memref<128xi32, #tpu.memory_space<vmem>>
    %dma_wait3A_45 = arith.constant 0 : i32
    %dma_wait3A_46 = arith.constant 0 : i32
    %dma_wait3A_47 = tpu.memref_slice %arg13[%dma_wait3A_45, %dma_wait3A_46] : memref<10240x40xf32, #tpu.memory_space<vmem_shared>> -> memref<10240x40xf32, #tpu.memory_space<vmem_shared>>
    tpu.wait_indirect_dma semaphore(%arg16 : memref<!tpu.dma_semaphore, #tpu.memory_space<semaphore_mem>>) src(%dma_wait3A_47 : memref<10240x40xf32, #tpu.memory_space<vmem_shared>>) dst(%arg10 : memref<128x40xf32, #tpu.memory_space<vmem>>)
    %dma_wait3A_48 = arith.constant 162 : i32
    %dma_wait3A_49 = arith.constant 0 : i32
    %dma_wait3A_50 = tpu.memref_slice %arg7[%dma_wait3A_48, %dma_wait3A_49] : memref<164x128xi32, #tpu.memory_space<vmem>> -> memref<1x128xi32, #tpu.memory_space<vmem>>
    %dma_wait3A_51 = tpu.memref_squeeze %dma_wait3A_50 : memref<1x128xi32, #tpu.memory_space<vmem>> -> memref<128xi32, #tpu.memory_space<vmem>>
    %dma_wait3A_52 = arith.constant 0 : i32
    %dma_wait3A_53 = arith.constant 0 : i32
    %dma_wait3A_54 = tpu.memref_slice %arg13[%dma_wait3A_52, %dma_wait3A_53] : memref<10240x40xf32, #tpu.memory_space<vmem_shared>> -> memref<10240x40xf32, #tpu.memory_space<vmem_shared>>
    tpu.wait_indirect_dma semaphore(%arg17 : memref<!tpu.dma_semaphore, #tpu.memory_space<semaphore_mem>>) src(%dma_wait3A_54 : memref<10240x40xf32, #tpu.memory_space<vmem_shared>>) dst(%arg11 : memref<128x40xf32, #tpu.memory_space<vmem>>)
    %dma_wait3A_55 = arith.constant 163 : i32
    %dma_wait3A_56 = arith.constant 0 : i32
    %dma_wait3A_57 = tpu.memref_slice %arg7[%dma_wait3A_55, %dma_wait3A_56] : memref<164x128xi32, #tpu.memory_space<vmem>> -> memref<1x128xi32, #tpu.memory_space<vmem>>
    %dma_wait3A_58 = tpu.memref_squeeze %dma_wait3A_57 : memref<1x128xi32, #tpu.memory_space<vmem>> -> memref<128xi32, #tpu.memory_space<vmem>>
    %dma_wait3A_59 = arith.constant 0 : i32
    %dma_wait3A_60 = arith.constant 0 : i32
    %dma_wait3A_61 = tpu.memref_slice %arg13[%dma_wait3A_59, %dma_wait3A_60] : memref<10240x40xf32, #tpu.memory_space<vmem_shared>> -> memref<10240x40xf32, #tpu.memory_space<vmem_shared>>
    tpu.wait_indirect_dma semaphore(%arg18 : memref<!tpu.dma_semaphore, #tpu.memory_space<semaphore_mem>>) src(%dma_wait3A_61 : memref<10240x40xf32, #tpu.memory_space<vmem_shared>>) dst(%arg12 : memref<128x40xf32, #tpu.memory_space<vmem>>)
    %barrier3A_62 = arith.constant 0 : index
    tpu.barrier barrier_id(%barrier3A_62)
    "tpu.region"() ({
      %run_scoped3A = tpu.sem_alloc : memref<!tpu.dma_semaphore, #tpu.memory_space<semaphore_mem>>
      %dma_start3A_63 = tpu.memref_slice %arg6[%mul3A_0, %mul3A_2] : memref<10240x80xf32, #tpu.memory_space<hbm>> -> memref<640x40xf32, #tpu.memory_space<hbm>>
      %dma_start3A_64 = arith.constant 0 : i32
      %dma_start3A_65 = tpu.memref_slice %arg14[%mul3A_0, %dma_start3A_64] : memref<10240x40xf32, #tpu.memory_space<vmem_shared>> -> memref<640x40xf32, #tpu.memory_space<vmem_shared>>
      tpu.enqueue_dma source(%dma_start3A_65 : memref<640x40xf32, #tpu.memory_space<vmem_shared>>) target(%dma_start3A_63 : memref<640x40xf32, #tpu.memory_space<hbm>>) target_semaphore(%run_scoped3A : memref<!tpu.dma_semaphore, #tpu.memory_space<semaphore_mem>>)
      %dma_wait3A_66 = tpu.memref_slice %arg6[%mul3A_0, %mul3A_2] : memref<10240x80xf32, #tpu.memory_space<hbm>> -> memref<640x40xf32, #tpu.memory_space<hbm>>
      %dma_wait3A_67 = arith.constant 0 : i32
      %dma_wait3A_68 = tpu.memref_slice %arg14[%mul3A_0, %dma_wait3A_67] : memref<10240x40xf32, #tpu.memory_space<vmem_shared>> -> memref<640x40xf32, #tpu.memory_space<vmem_shared>>
      tpu.wait_dma2 semaphore(%run_scoped3A : memref<!tpu.dma_semaphore, #tpu.memory_space<semaphore_mem>>) src(%dma_wait3A_68 : memref<640x40xf32, #tpu.memory_space<vmem_shared>>) dst(%dma_wait3A_66 : memref<640x40xf32, #tpu.memory_space<hbm>>)
      tpu.yield
    }) : () -> ()
    return
  }
}

module attributes {stable_mosaic.version = 14 : i64} {
  func.func @_tc1_body(%arg0: i32, %arg1: memref<1024x128xf32, #tpu.memory_space<vmem>>, %arg2: memref<128x64xf32, #tpu.memory_space<vmem>>, %arg3: memref<128x80xf32, #tpu.memory_space<vmem>>, %arg4: memref<1024x80xf32, #tpu.memory_space<vmem>>, %arg5: memref<1024x80xf32, #tpu.memory_space<vmem>>) attributes {dimension_semantics = [#tpu.dimension_semantics<arbitrary>], iteration_bounds = array<i64: 10>, scalar_prefetch = 0 : i64, scratch_operands = 0 : i64, tpu.core_type = #tpu.core_type<tc>, window_params = [{transform_indices = @transform_0, window_bounds = array<i64: 1024, 128>}, {pipeline_mode = #tpu.pipeline_mode<synchronous>, transform_indices = @transform_1, window_bounds = array<i64: 128, 64>}, {pipeline_mode = #tpu.pipeline_mode<synchronous>, transform_indices = @transform_2, window_bounds = array<i64: 128, 80>}, {transform_indices = @transform_3, window_bounds = array<i64: 1024, 80>}, {transform_indices = @transform_4, window_bounds = array<i64: 1024, 80>}]} {
    %get3A = arith.constant 0 : index
    %get3A_0 = arith.constant 0 : index
    %get3A_1 = vector.load %arg1[%get3A, %get3A_0] : memref<1024x128xf32, #tpu.memory_space<vmem>>, vector<1024x128xf32>
    %get3A_2 = arith.constant 0 : index
    %get3A_3 = arith.constant 0 : index
    %get3A_4 = vector.load %arg2[%get3A_2, %get3A_3] : memref<128x64xf32, #tpu.memory_space<vmem>>, vector<128x64xf32>
    %dot_general3A = arith.constant dense<0.000000e+00> : vector<1024x64xf32>
    %dot_general3A_5 = tpu.matmul %get3A_1, %get3A_4, %dot_general3A {dimension_numbers = #tpu.dot_dimension_numbers<[1], [0], [0], [1], [0, 0, 1, 1], [], []>, transpose_lhs_hint = false} : vector<1024x128xf32>, vector<128x64xf32>, vector<1024x64xf32> -> vector<1024x64xf32>
    %iota3A = tpu.iota {dimensions = array<i32: 1>} : vector<1024x16xi32>
    %eq3A = arith.constant 0 : i32
    %eq3A_6 = vector.broadcast %eq3A : i32 to vector<1024x16xi32>
    %eq3A_7 = arith.cmpi eq, %iota3A, %eq3A_6 : vector<1024x16xi32>
    %jit3A = arith.constant 1.000000e+00 : f32
    %jit3A_8 = arith.constant 0.000000e+00 : f32
    %broadcast_in_dim3A = vector.broadcast %jit3A : f32 to vector<1024x16xf32>
    %broadcast_in_dim3A_9 = vector.broadcast %jit3A_8 : f32 to vector<1024x16xf32>
    %select_n3A = arith.select %eq3A_7, %broadcast_in_dim3A, %broadcast_in_dim3A_9 : vector<1024x16xi1>, vector<1024x16xf32>
    %concatenate3A = tpu.concatenate %dot_general3A_5, %select_n3A in 1 : vector<1024x64xf32>, vector<1024x16xf32> -> vector<1024x80xf32>
    %swap3A = arith.constant 0 : index
    %swap3A_10 = arith.constant 0 : index
    %swap3A_11 = vector.load %arg4[%swap3A, %swap3A_10] : memref<1024x80xf32, #tpu.memory_space<vmem>>, vector<1024x80xf32>
    tpu.vector_store %arg4[%swap3A, %swap3A_10], %concatenate3A {strides = array<i32>} : memref<1024x80xf32, #tpu.memory_space<vmem>>, vector<1024x80xf32>,
    %get3A_12 = arith.constant 0 : index
    %get3A_13 = arith.constant 0 : index
    %get3A_14 = vector.load %arg3[%get3A_12, %get3A_13] : memref<128x80xf32, #tpu.memory_space<vmem>>, vector<128x80xf32>
    %dot_general3A_15 = arith.constant dense<0.000000e+00> : vector<1024x80xf32>
    %dot_general3A_16 = tpu.matmul %get3A_1, %get3A_14, %dot_general3A_15 {dimension_numbers = #tpu.dot_dimension_numbers<[1], [0], [0], [1], [0, 0, 1, 1], [], []>, transpose_lhs_hint = false} : vector<1024x128xf32>, vector<128x80xf32>, vector<1024x80xf32> -> vector<1024x80xf32>
    %swap3A_17 = arith.constant 0 : index
    %swap3A_18 = arith.constant 0 : index
    %swap3A_19 = vector.load %arg5[%swap3A_17, %swap3A_18] : memref<1024x80xf32, #tpu.memory_space<vmem>>, vector<1024x80xf32>
    tpu.vector_store %arg5[%swap3A_17, %swap3A_18], %dot_general3A_16 {strides = array<i32>} : memref<1024x80xf32, #tpu.memory_space<vmem>>, vector<1024x80xf32>,
    return
  }
  func.func @transform_0(%arg0: i32) -> (i32, i32) {
    %c0_i32 = arith.constant 0 : i32
    %c0_i32_0 = arith.constant 0 : i32
    return %arg0, %c0_i32 : i32, i32
  }
  func.func @transform_1(%arg0: i32) -> (i32, i32) {
    %c0_i32 = arith.constant 0 : i32
    %c0_i32_0 = arith.constant 0 : i32
    %c0_i32_1 = arith.constant 0 : i32
    return %c0_i32, %c0_i32_0 : i32, i32
  }
  func.func @transform_2(%arg0: i32) -> (i32, i32) {
    %c0_i32 = arith.constant 0 : i32
    %c0_i32_0 = arith.constant 0 : i32
    %c0_i32_1 = arith.constant 0 : i32
    return %c0_i32, %c0_i32_0 : i32, i32
  }
  func.func @transform_3(%arg0: i32) -> (i32, i32) {
    %c0_i32 = arith.constant 0 : i32
    %c0_i32_0 = arith.constant 0 : i32
    return %arg0, %c0_i32 : i32, i32
  }
  func.func @transform_4(%arg0: i32) -> (i32, i32) {
    %c0_i32 = arith.constant 0 : i32
    %c0_i32_0 = arith.constant 0 : i32
    return %arg0, %c0_i32 : i32, i32
  }
}

module attributes {stable_mosaic.version = 14 : i64} {
  func.func @_tc2_body(%arg0: i32, %arg1: memref<1024x80xf32, #tpu.memory_space<vmem>>, %arg2: memref<1024x80xf32, #tpu.memory_space<vmem>>, %arg3: memref<1x80xf32, #tpu.memory_space<vmem>>, %arg4: memref<80x32xf32, #tpu.memory_space<vmem>>, %arg5: memref<80x32xf32, #tpu.memory_space<vmem>>, %arg6: memref<1024x32xf32, #tpu.memory_space<vmem>>, %arg7: memref<1024x32xf32, #tpu.memory_space<vmem>>, %arg8: memref<1024x1xf32, #tpu.memory_space<vmem>>) attributes {dimension_semantics = [#tpu.dimension_semantics<arbitrary>], iteration_bounds = array<i64: 10>, scalar_prefetch = 0 : i64, scratch_operands = 0 : i64, tpu.core_type = #tpu.core_type<tc>, window_params = [{transform_indices = @transform_0, window_bounds = array<i64: 1024, 80>}, {transform_indices = @transform_1, window_bounds = array<i64: 1024, 80>}, {pipeline_mode = #tpu.pipeline_mode<synchronous>, transform_indices = @transform_2, window_bounds = array<i64: 1, 80>}, {pipeline_mode = #tpu.pipeline_mode<synchronous>, transform_indices = @transform_3, window_bounds = array<i64: 80, 32>}, {pipeline_mode = #tpu.pipeline_mode<synchronous>, transform_indices = @transform_4, window_bounds = array<i64: 80, 32>}, {transform_indices = @transform_5, window_bounds = array<i64: 1024, 32>}, {transform_indices = @transform_6, window_bounds = array<i64: 1024, 32>}, {transform_indices = @transform_7, window_bounds = array<i64: 1024, 1>}]} {
    %get3A = arith.constant 0 : index
    %get3A_0 = arith.constant 0 : index
    %get3A_1 = vector.load %arg1[%get3A, %get3A_0] : memref<1024x80xf32, #tpu.memory_space<vmem>>, vector<1024x80xf32>
    %iota3A = tpu.iota {dimensions = array<i32: 1>} : vector<1024x80xi32>
    %eq3A = arith.constant 64 : i32
    %eq3A_2 = vector.broadcast %eq3A : i32 to vector<1024x80xi32>
    %eq3A_3 = arith.cmpi eq, %iota3A, %eq3A_2 : vector<1024x80xi32>
    %jit3A = arith.constant 0.000000e+00 : f32
    %broadcast_in_dim3A = vector.broadcast %jit3A : f32 to vector<1024x80xf32>
    %select_n3A = arith.select %eq3A_3, %get3A_1, %broadcast_in_dim3A : vector<1024x80xi1>, vector<1024x80xf32>
    %reduce_sum3A = arith.constant dense<0.000000e+00> : vector<1024xf32>
    %reduce_sum3A_4 = vector.multi_reduction <add>, %select_n3A, %reduce_sum3A [1] : vector<1024x80xf32> to vector<1024xf32>
    %broadcast_in_dim3A_5 = vector.shape_cast %reduce_sum3A_4 : vector<1024xf32> to vector<1024x1xf32>
    %max3A = arith.constant 1.000000e+00 : f32
    %max3A_6 = vector.broadcast %max3A : f32 to vector<1024x1xf32>
    %max3A_7 = arith.maximumf %broadcast_in_dim3A_5, %max3A_6 : vector<1024x1xf32>
    %div3A = arith.constant 1.000000e+00 : f32
    %div3A_8 = vector.broadcast %div3A : f32 to vector<1024x1xf32>
    %div3A_9 = arith.divf %div3A_8, %max3A_7 : vector<1024x1xf32>
    %mul3A = vector.broadcast %div3A_9 : vector<1024x1xf32> to vector<1024x80xf32>
    %mul3A_10 = arith.mulf %get3A_1, %mul3A : vector<1024x80xf32>
    %get3A_11 = arith.constant 0 : index
    %get3A_12 = arith.constant 0 : index
    %get3A_13 = vector.load %arg3[%get3A_11, %get3A_12] : memref<1x80xf32, #tpu.memory_space<vmem>>, vector<1x80xf32>
    %add3A = vector.broadcast %get3A_13 : vector<1x80xf32> to vector<1024x80xf32>
    %add3A_14 = arith.addf %mul3A_10, %add3A : vector<1024x80xf32>
    %get3A_15 = arith.constant 0 : index
    %get3A_16 = arith.constant 0 : index
    %get3A_17 = vector.load %arg2[%get3A_15, %get3A_16] : memref<1024x80xf32, #tpu.memory_space<vmem>>, vector<1024x80xf32>
    %add3A_18 = arith.addf %add3A_14, %get3A_17 : vector<1024x80xf32>
    %max3A_19 = arith.constant 0.000000e+00 : f32
    %max3A_20 = vector.broadcast %max3A_19 : f32 to vector<1024x80xf32>
    %max3A_21 = arith.maximumf %add3A_18, %max3A_20 : vector<1024x80xf32>
    %get3A_22 = arith.constant 0 : index
    %get3A_23 = arith.constant 0 : index
    %get3A_24 = vector.load %arg4[%get3A_22, %get3A_23] : memref<80x32xf32, #tpu.memory_space<vmem>>, vector<80x32xf32>
    %dot_general3A = arith.constant dense<0.000000e+00> : vector<1024x32xf32>
    %dot_general3A_25 = tpu.matmul %max3A_21, %get3A_24, %dot_general3A {dimension_numbers = #tpu.dot_dimension_numbers<[1], [0], [0], [1], [0, 0, 1, 1], [], []>, transpose_lhs_hint = false} : vector<1024x80xf32>, vector<80x32xf32>, vector<1024x32xf32> -> vector<1024x32xf32>
    %swap3A = arith.constant 0 : index
    %swap3A_26 = arith.constant 0 : index
    %swap3A_27 = vector.load %arg6[%swap3A, %swap3A_26] : memref<1024x32xf32, #tpu.memory_space<vmem>>, vector<1024x32xf32>
    tpu.vector_store %arg6[%swap3A, %swap3A_26], %dot_general3A_25 {strides = array<i32>} : memref<1024x32xf32, #tpu.memory_space<vmem>>, vector<1024x32xf32>,
    %get3A_28 = arith.constant 0 : index
    %get3A_29 = arith.constant 0 : index
    %get3A_30 = vector.load %arg5[%get3A_28, %get3A_29] : memref<80x32xf32, #tpu.memory_space<vmem>>, vector<80x32xf32>
    %dot_general3A_31 = arith.constant dense<0.000000e+00> : vector<1024x32xf32>
    %dot_general3A_32 = tpu.matmul %max3A_21, %get3A_30, %dot_general3A_31 {dimension_numbers = #tpu.dot_dimension_numbers<[1], [0], [0], [1], [0, 0, 1, 1], [], []>, transpose_lhs_hint = false} : vector<1024x80xf32>, vector<80x32xf32>, vector<1024x32xf32> -> vector<1024x32xf32>
    %swap3A_33 = arith.constant 0 : index
    %swap3A_34 = arith.constant 0 : index
    %swap3A_35 = vector.load %arg7[%swap3A_33, %swap3A_34] : memref<1024x32xf32, #tpu.memory_space<vmem>>, vector<1024x32xf32>
    tpu.vector_store %arg7[%swap3A_33, %swap3A_34], %dot_general3A_32 {strides = array<i32>} : memref<1024x32xf32, #tpu.memory_space<vmem>>, vector<1024x32xf32>,
    %swap3A_36 = arith.constant 0 : index
    %swap3A_37 = arith.constant 0 : index
    %swap3A_38 = vector.load %arg8[%swap3A_36, %swap3A_37] : memref<1024x1xf32, #tpu.memory_space<vmem>>, vector<1024x1xf32>
    tpu.vector_store %arg8[%swap3A_36, %swap3A_37], %div3A_9 {strides = array<i32>} : memref<1024x1xf32, #tpu.memory_space<vmem>>, vector<1024x1xf32>,
    return
  }
  func.func @transform_0(%arg0: i32) -> (i32, i32) {
    %c0_i32 = arith.constant 0 : i32
    %c0_i32_0 = arith.constant 0 : i32
    return %arg0, %c0_i32 : i32, i32
  }
  func.func @transform_1(%arg0: i32) -> (i32, i32) {
    %c0_i32 = arith.constant 0 : i32
    %c0_i32_0 = arith.constant 0 : i32
    return %arg0, %c0_i32 : i32, i32
  }
  func.func @transform_2(%arg0: i32) -> (i32, i32) {
    %c0_i32 = arith.constant 0 : i32
    %c0_i32_0 = arith.constant 0 : i32
    %c0_i32_1 = arith.constant 0 : i32
    return %c0_i32, %c0_i32_0 : i32, i32
  }
  func.func @transform_3(%arg0: i32) -> (i32, i32) {
    %c0_i32 = arith.constant 0 : i32
    %c0_i32_0 = arith.constant 0 : i32
    %c0_i32_1 = arith.constant 0 : i32
    return %c0_i32, %c0_i32_0 : i32, i32
  }
  func.func @transform_4(%arg0: i32) -> (i32, i32) {
    %c0_i32 = arith.constant 0 : i32
    %c0_i32_0 = arith.constant 0 : i32
    %c0_i32_1 = arith.constant 0 : i32
    return %c0_i32, %c0_i32_0 : i32, i32
  }
  func.func @transform_5(%arg0: i32) -> (i32, i32) {
    %c0_i32 = arith.constant 0 : i32
    %c0_i32_0 = arith.constant 0 : i32
    return %arg0, %c0_i32 : i32, i32
  }
  func.func @transform_6(%arg0: i32) -> (i32, i32) {
    %c0_i32 = arith.constant 0 : i32
    %c0_i32_0 = arith.constant 0 : i32
    return %arg0, %c0_i32 : i32, i32
  }
  func.func @transform_7(%arg0: i32) -> (i32, i32) {
    %c0_i32 = arith.constant 0 : i32
    %c0_i32_0 = arith.constant 0 : i32
    return %arg0, %c0_i32 : i32, i32
  }
}

</mosaic_0001>

<sc_bundles>
// kernel: kernel.6.cloned.1.call-start
scs
__scs_entry_jumppad:
0x0: {  	(pc) =	sbr.rel $0x88, $3  }
0x1: {  	(tag) =	ssettag $0x0;
	lr =	simm.s32 $0x1  }
0x2: {  	[smem:$0x3F99] =	sst lr;
	_ =	strace $0xD0000000  }
0x3: {  	_ = 	snop  }
0x4: {  	_ = 	snop  }
0x5: {  	_ = 	snop  }
0x6: {  	_ = 	snop  }
0x7: {  	_ = 	snop  }
__scs_overlays_trampoline_lowered:
0x8: {  	[smem:$0x3FA8] =	sst s0  }
0x9: {  	[smem:$0x3FA9] =	sst s1  }
0xa: {  	[smem:$0x3FAA] =	sst s2  }
0xb: {  	[smem:$0x3FAB] =	sst s3  }
0xc: {  	[smem:$0x3FAC] =	sst s4  }
0xd: {  	[smem:$0x3FAD] =	sst s5  }
0xe: {  	[smem:$0x3FAE] =	sst s6  }
0xf: {  	[smem:$0x3FAF] =	sst s7  }
0x10: {  	[smem:$0x3FB0] =	sst s8  }
0x11: {  	[smem:$0x3FB1] =	sst s9;
	s0 =	simm.s32 @!p0 $0x0  }
0x12: {  	s1 =	sld [smem:$0x3F97];
	s0 =	simm.s32 @p0 $0x1  }
0x13: {  	[smem:$0x3FB2] =	sst s0;
	s0 =	simm.s32 @!p1 $0x0  }
0x14: {  	s2 =	sld [smem:$0x3F96];
	s0 =	simm.s32 @p1 $0x1  }
0x15: {  	[smem:$0x3FB3] =	sst s0;
	s0 =	simm.s32 @!p2 $0x0  }
0x16: {  	s3 =	sld [smem:$0x3FDB];
	s0 =	simm.s32 @p2 $0x1  }
0x17: {  	s4 =	simm.s32 $0x1BF5;
	[smem:$0x3FB5] =	sst s0  }
0x18: {  	s0 =	sld [smem:$0x3F98];
	_ =	swait.ge [sflag:s4], $0x0  }
0x19: {  	s7 =	sld [smem:$0x3F99]  }
0x1a: {  	s8 =	sadd.s32 $0xFFFFE003, lr  }
0x1b: {  	s9 =	sadd.s32 $0xFFFFFEF7, lr;
	s5 =	simm.s32 $0xFFFFFFFF;
	p2 =	slt.u32 s8, $0xFFFFF086  }
0x1c: {  	p1 =	slt.u32 s9, $0xF7A;
	s5 =	simm.s32 @!p2 $0x0  }
0x1d: {  	s5 =	simm.s32 @p1 $0x1;
	p0 =	seq.s32 s7, s2  }
0x1e: {  	s7 =	smul.u32 @!p0 $0xF7A, s2;
	p2 =	seq.s32 @!p0 s5, $0x0  }
0x1f: {  	s9 =	smul.u32 $0xF7A, s1;
	s8 =	simm.s32 @!p0 $0x1BF5;
	p2 =	por !p2, p0  }
0x20: {  	[sflag:s8] =	ssyncset.s32 @!p0 $0xFFFFF086;
	s6 =	sadd.s32 @!p0 s3, s7;
	s7 =	simm.s32 @!p0 $0x108  }
0x21: {  	s3 =	sadd.s32 s3, s9;
	s6 =	sadd.s32 @!p0 $0x88, s6;
	s7 =	simm.s32 @p2 $0x1082  }
0x22: {  	[simem:s7], [sflag:s8] =	dma.local @!p0 [hbm:s6], $0xF7A  }
0x23: {  	s9 =	sor.u32 $0xD0000000, s2;
	s6 =	simm.s32 $0x108;
	_ =	swait.ge @!p0 [sflag:s8], $0x0  }
0x24: {  	s3 =	sadd.s32 $0x88, s3;
	s6 =	simm.s32 @!p1 $0x1082;
	[sflag:s4] =	ssyncset.s32 $0xFFFFF086  }
0x25: {  	[simem:s6], [sflag:s4] =	dma.local [hbm:s3], $0xF7A  }
0x26: {  	[smem:$0x3F99] =	sst s1;
	(tag) =	ssettag s2;
	_ =	strace s9  }
0x27: {  	s1 =	sld [smem:$0x3FA9]  }
0x28: {  	s2 =	sld [smem:$0x3FAA]  }
0x29: {  	s4 =	sld [smem:$0x3FAC]  }
0x2a: {  	p0 =	seq.s32 s5, $0x0;
	s5 =	sld [smem:$0x3FAD]  }
0x2b: {  	s6 =	sld [smem:$0x3FAE]  }
0x2c: {  	s7 =	sld [smem:$0x3FAF]  }
0x2d: {  	s3 =	simm.s32 $0x108;
	s8 =	sld [smem:$0x3FB0]  }
0x2e: {  	s3 =	simm.s32 @!p0 $0x1082;
	s9 =	sld [smem:$0x3FB1]  }
0x2f: {  	lr =	sadd.s32 s0, s3;
	s0 =	sld [smem:$0x3FA8]  }
0x30: {  	s3 =	sld [smem:$0x3FAB]  }
0x31: {  	[smem:$0x3FB4] =	sst s10  }
0x32: {  	s10 =	sld [smem:$0x3FB2];
	_ =	sdelay $0x3  }
0x33: {  	p0 =	seq.s32 s10, $0x1;
	s10 =	sld [smem:$0x3FB4];
	_ =	sdelay $0x3  }
0x34: {  	[smem:$0x3FB4] =	sst s10  }
0x35: {  	s10 =	sld [smem:$0x3FB3];
	_ =	sdelay $0x3  }
0x36: {  	p1 =	seq.s32 s10, $0x1;
	s10 =	sld [smem:$0x3FB4];
	_ =	sdelay $0x3  }
0x37: {  	[smem:$0x3FB4] =	sst s10  }
0x38: {  	s10 =	sld [smem:$0x3FB5]  }
0x39: {  	_ = 	snop;
	(pc) =	sbr.ind lr, $3  }
0x3a: {  	_ = 	snop  }
0x3b: {  	_ = 	snop  }
0x3c: {  	p2 =	seq.s32 s10, $0x1;
	s10 =	sld [smem:$0x3FB4]  }
0x3d: {  	_ =	shalt  }
0x3e: {  	_ =	shalt  }
0x3f: {  	_ =	shalt  }
0x40: {  	_ =	shalt  }
0x41: {  	_ =	shalt  }
0x42: {  	_ =	shalt  }
0x43: {  	_ =	shalt  }
0x44: {  	_ =	shalt  }
0x45: {  	_ =	shalt  }
0x46: {  	_ =	shalt  }
0x47: {  	_ =	shalt  }
0x48: {  	_ =	shalt  }
0x49: {  	_ =	shalt  }
0x4a: {  	_ =	shalt  }
0x4b: {  	_ =	shalt  }
0x4c: {  	_ =	shalt  }
0x4d: {  	_ =	shalt  }
0x4e: {  	_ =	shalt  }
0x4f: {  	_ =	shalt  }
0x50: {  	_ =	shalt  }
0x51: {  	_ =	shalt  }
0x52: {  	_ =	shalt  }
0x53: {  	_ =	shalt  }
0x54: {  	_ =	shalt  }
0x55: {  	_ =	shalt  }
0x56: {  	_ =	shalt  }
0x57: {  	_ =	shalt  }
0x58: {  	_ =	shalt  }
0x59: {  	_ =	shalt  }
0x5a: {  	_ =	shalt  }
0x5b: {  	_ =	shalt  }
0x5c: {  	_ =	shalt  }
0x5d: {  	_ =	shalt  }
0x5e: {  	_ =	shalt  }
0x5f: {  	_ =	shalt  }
0x60: {  	_ =	shalt  }
0x61: {  	_ =	shalt  }
0x62: {  	_ =	shalt  }
0x63: {  	_ =	shalt  }
0x64: {  	_ =	shalt  }
0x65: {  	_ =	shalt  }
0x66: {  	_ =	shalt  }
0x67: {  	_ =	shalt  }
0x68: {  	_ =	shalt  }
0x69: {  	_ =	shalt  }
0x6a: {  	_ =	shalt  }
0x6b: {  	_ =	shalt  }
0x6c: {  	_ =	shalt  }
0x6d: {  	_ =	shalt  }
0x6e: {  	_ =	shalt  }
0x6f: {  	_ =	shalt  }
0x70: {  	_ =	shalt  }
0x71: {  	_ =	shalt  }
0x72: {  	_ =	shalt  }
0x73: {  	_ =	shalt  }
0x74: {  	_ =	shalt  }
0x75: {  	_ =	shalt  }
0x76: {  	_ =	shalt  }
0x77: {  	_ =	shalt  }
0x78: {  	_ =	shalt  }
0x79: {  	_ =	shalt  }
0x7a: {  	_ =	shalt  }
0x7b: {  	_ =	shalt  }
0x7c: {  	_ =	shalt  }
0x7d: {  	_ =	shalt  }
0x7e: {  	_ =	shalt  }
0x7f: {  	_ =	shalt  }
0x80: {  	_ =	shalt  }
0x81: {  	_ =	shalt  }
0x82: {  	_ =	shalt  }
0x83: {  	_ =	shalt  }
0x84: {  	_ =	shalt  }
0x85: {  	_ =	shalt  }
0x86: {  	_ =	shalt  }
0x87: {  	_ =	shalt  }
.Lfunc_end0:
.L_simem_size_0:
called_computation_lowered:
.L_overlay_start_0:
0x88: {  	s2 =	sld [smem:$0x3FD9]  }
0x89: {  	s3 =	sld [smem:$0x3FFE];
	_ =	sdelay $0x1  }
0x8a: {  	s1 =	srdreg.scid  }
0x8b: {  	s0 =	sand.u32 $0x1, s1  }
0x8c: {  	s16 =	sshll.u32 s0, $0xA;
	s2 =	sadd.s32 s3, s2  }
0x8d: {  	s2 =	sadd.s32 s2, s16  }
0x8e: {  	[smem:$0x3FC0] =	sst s2  }
0x8f: {  	_ = 	snop  }
0x90: {  	(tm) =	ssettm $0x1  }
0x91: {  	s17 =	sld [smem:$0x3FFB];
	_ =	sdelay $0x3  }
0x92: {  	_ =	strace s17  }
0x93: {  	s2 =	sld [smem:$0x3FFC];
	_ =	sdelay $0x3  }
0x94: {  	_ =	strace s2  }
0x95: {  	s2 =	sld [smem:$0x3FFD];
	_ =	sdelay $0x3  }
0x96: {  	_ =	strace s2  }
0x97: {  	_ =	strace $0x8FFFFFFF  }
0x98: {  	s18 =	sld [smem:$0x3FDB];
	_ =	sdelay $0x1  }
0x99: {  	s19 =	simm.s32 $_scs_section_size  }
0x9a: {  	s4 =	simm.s32 $_size__tile_overlayer_lowered;
	s5 =	simm.s32 $_tile_overlayer_lowered  }
0x9b: {  	s22 =	simm.s32 $0x1BFF;
	s21 =	sshll.u32 s5, $0x1;
	s2 =	sadd.s32 s19, s18  }
0x9c: {  	s6 =	simm.s32 $0x0;
	s20 =	sshll.u32 s4, $0x1;
	s4 =	sadd.s32 s21, s2  }
0x9d: {  	[timem:s6], [sflag:s22] =	dma.local [hbm:s4], s20  }
0x9e: {  	_ =	swait.ge [sflag:s22], s20  }
0x9f: {  	s3 =	ssub.s32 $0x0, s20;
	[sflag:s22] =	ssyncset.done $0x0  }
0xa0: {  	[sflag:s22] =	ssyncadd.s32 s3;
	_ =	sdelay $0x1  }
0xa1: {  	s23 =	simm.s32 $0x1B8B  }
0xa2: {  	_ =	swait.ge [sflag:s23], $0x1  }
0xa3: {  	[sflag:s23] =	ssyncset.done $0x0  }
0xa4: {  	s25 =	simm.s32 $0x1B8E;
	s24 =	sld [smem:$0x3FFE];
	[sflag:s23] =	ssyncadd.s32 $0xFFFFFFFF  }
0xa5: {  	s26 =	simm.s32 $execute0_lowered;
	[smem:$0x3FD2] =	sst s25  }
0xa6: {  	s4 =	sshll.u32 s26, $0x1;
	_ =	strace $0x80000046;
	[dreg:$0x1] =	wrdreg $0xFFFFFFFF  }
0xa7: {  	s28 =	simm.s32 $_size_execute0_lowered;
	s2 =	sadd.s32 s2, s4;
	[dreg:$0x0] =	wrdreg $0x0  }
0xa8: {  	s4 =	sshll.u32 s28, $0x1;
	[dreg:$0x2] =	wrdreg s2  }
0xa9: {  	[dreg:$0x3] =	wrdreg s4  }
0xaa: {  	[dreg:$0x4] =	wrdreg $0xC0  }
0xab: {  	_ =	task [dreg:s6], $0x5FFFF  }
0xac: {  	[dreg:$0x1] =	wrdreg $0xFFFFFFFF  }
0xad: {  	[dreg:$0x0] =	wrdreg $0x60  }
0xae: {  	[dreg:$0x2] =	wrdreg s24  }
0xaf: {  	[dreg:$0x3] =	wrdreg $0xF2000  }
0xb0: {  	[dreg:$0x4] =	wrdreg $0x156000  }
0xb1: {  	[dreg:$0x5] =	wrdreg $0x9  }
0xb2: {  	_ =	task.clear_ibuf [dreg:s6], $0x6FFFF;
	_ =	strace $0x90000046  }
0xb3: {  	s29 =	simm.s32 $0x9;
	_ =	strace $0x80000048  }
0xb4: {  	_ =	swait.ge [sflag:s29], $0x1  }
0xb5: {  	[sflag:s29] =	ssyncadd.s32 $0xFFFFFFFF  }
0xb6: {  	_ =	strace $0x90000048  }
0xb7: {  	_ =	sfence  }
0xb8: {  	s30 =	sld [smem:$0x0];
	_ =	sdelay $0x2  }
0xb9: {  	s31 =	sshll.u32 s1, $0xD;
	s1 =	sshrl.u32 s1, $0x2  }
0xba: {  	s3 =	sand.u32 $0x4000, s31;
	s1 =	sadd.s32 s1, s30  }
0xbb: {  	s0 =	sor.u32 s3, s0;
	s1 =	sshll.u32 s1, $0x11  }
0xbc: {  	s0 =	sor.u32 s1, s0  }
0xbd: {  	s0 =	sadd.s32 $0x8F2B, s0  }
0xbe: {  	[sflag:s0] =	ssyncadd.remote.s32 $0x1  }
0xbf: {  	_ =	sfence.sel $0xFFFF  }
0xc0: {  	[dreg:$0x0] =	wrdreg $0xFFFFFFFF;
	(pc) =	sbr.abs _section_cstart, $3  }
0xc1: {  	[dreg:$0x1] =	wrdreg $0xFFFFFFFF  }
0xc2: {  	_ =	task.clear_ibuf [dreg:s6], $0x2FFFF;
	_ =	strace $0x9FFFFFFF  }
0xc3: {  	(tm) =	ssettm $0x7FFFFFFF  }
tec
execute0_lowered:
.L_overlay_start_1:
0x0: {  	(tag) =	ssettag $0x1  }
0x1: {  	s0 =	rddreg [dreg:$0x0]  }
0x2: {  	s2 =	rddreg [dreg:$0x1]  }
0x3: {  	s12 =	stileid.u32;
	s3 =	rddreg [dreg:$0x2]  }
0x4: {  	s6 =	srdreg.scid;
	s4 =	simm.s32 $0x0;
	s13 =	simm.s32 $0x1  }
0x5: {  	s14 =	simm.s32 $0x5;
	s15 =	simm.s32 $0xA;
	s16 =	simm.s32 $0x9  }
0x6: {  	s19 =	simm.s32 $0x80;
	s20 =	simm.s32 $0xA200;
	s1 =	smul.u32 $0xAA0, s12  }
0x7: {  	s28 =	simm.s32 $0x3;
	s29 =	simm.s32 $0x4;
	s5 =	smul.u32 $0xA00, s12  }
0x8: {  	s30 =	simm.s32 $0x6;
	s31 =	simm.s32 $0x7;
	s7 =	smul.u32 $0x6400, s12  }
0x9: {  	s6 =	sand.u32 $0x1, s6;
	s8 =	smul.u32 $0xC800, s12;
	[smem:$0x7FF] =	sst s4  }
0xa: {  	s25 =	sshll.u32 s12, $0x6;
	s9 =	smul.u32 $0x28, s6;
	_ =	strace $0x80000047  }
0xb: {  	s6 =	ssub.s32 $0x2, s6;
	s1 =	sadd.s32 s1, s0;
	s10 =	sadd.s32 s5, s0  }
0xc: {  	s21 =	sshrl.u32 s7, $0x3;
	s24 =	sshrl.u32 s6, $0x1;
	s26 =	sadd.s32 s7, s2  }
0xd: {  	s17 =	sadd.s32 s7, s3;
	s8 =	sor.u32 s9, s8;
	s22 =	sadd.s32 s21, s0  }
0xe: {  	s11 =	ssub.s32 s6, s24;
	s6 =	sor.u32 $0x1C09, s25;
	s9 =	sadd.s32 $0x4BE00, s10  }
0xf: {  	s12 =	sshrl.u32 s26, $0x3;
	s17 =	sshrl.u32 s17, $0x3;
	s21 =	simm.s32 $0xB600  }
0x10: {  	s25 =	simm.s32 $0xDE00;
	s26 =	simm.s32 $0x2;
	s23 =	sshrl.u32 s8, $0x3  }
0x11: {  	s7 =	sadd.s32 $0x55E00, s22;
	s8 =	sadd.s32 $0x41400, s1;
	s11 =	smax.u32 s11, $0x1  }
0x12: {  	s1 =	simm.s32 $0x8;
	s0 =	sadd.s32 s23, s0;
	s23 =	simm.s32 $0xCA00  }
0x13: {  	s5 =	sadd.s32 $0x28400, s0;
	s10 =	sadd.s32 $0x62600, s0;
	s0 =	simm.s32 $0x0  }
.LBB2_1:
0x14: {  	[spmem:s12@s14], [sflag:s6] =	dma.strided [hbm:s5@s15], $0xC80, s13, $0x5   }
0x15: {  	_ =	swait.ge [sflag:s16], $0xC80  }
0x16: {  	[sflag:s16] =	ssyncset.done $0x0  }
0x17: {  	[sflag:s16] =	ssyncadd.s32 $0xFFFFF380  }
0x18: {  	[spmem:s17], [sflag:s6] =	dma.local [hbm:s7], $0xC80  }
0x19: {  	_ =	swait.ge [sflag:s16], $0xC80  }
0x1a: {  	[sflag:s16] =	ssyncset.done $0x0  }
0x1b: {  	[sflag:s16] =	ssyncadd.s32 $0xFFFFF380  }
0x1c: {  	[tilespmem:s4], [sflag:$0x9] =	stream.linear.gather [hbm4b:s8+s4], $0x5200, $0x38;
	[tilespmem:$0x1BA00] =	vst v63  }
0x1d: {  	_ =	swait.ge [sflag:s16], $0x5200  }
0x1e: {  	[sflag:s16] =	ssyncset.done $0x0  }
0x1f: {  	s18 =	simm.s32 $0x5200;
	[sflag:s16] =	ssyncadd.s32 $0xFFFFAE00  }
0x20: {  	[tilespmem:s18], [sflag:$0x9] =	stream.linear.gather [hbm4b:s9+s4], $0x5000, $0x38;
	[tilespmem:$0x1BA00] =	vst v63  }
0x21: {  	_ =	swait.ge [sflag:s16], $0x5000  }
0x22: {  	[sflag:s16] =	ssyncset.done $0x0  }
0x23: {  	[sflag:s16] =	ssyncadd.s32 $0xFFFFB000  }
0x24: {  	[bflag:$0x0] =	sbarrier.arrive $0xFFFF  }
0x25: {  	[tilespmem:s20], [sflag:$0x1] =	stream.indirect.gather [spmem:s2], $0x28, s4, s19, $0xb8;
	[tilespmem:$0x1BA00] =	vst v63  }
0x26: {  	_ = 	snop  }
0x27: {  	[tilespmem:s21], [sflag:$0x2] =	stream.indirect.gather [spmem:s2], $0x28, s19, s19, $0xb8;
	[tilespmem:$0x1BA00] =	vst v63  }
0x28: {  	s24 =	simm.s32 $0x100  }
0x29: {  	[tilespmem:s23], [sflag:$0x3] =	stream.indirect.gather [spmem:s2], $0x28, s24, s19, $0xb8;
	[tilespmem:$0x1BA00] =	vst v63  }
0x2a: {  	s22 =	simm.s32 $0x180  }
0x2b: {  	[tilespmem:s25], [sflag:$0x4] =	stream.indirect.gather [spmem:s2], $0x28, s22, s19, $0xb8;
	[tilespmem:$0x1BA00] =	vst v63  }
0x2c: {  	_ =	swait.ge [sflag:s13], $0x1400  }
0x2d: {  	[sflag:s13] =	ssyncset.done $0x0  }
0x2e: {  	s24 =	simm.s32 $0x5200;
	[sflag:s13] =	ssyncadd.s32 $0xFFFFEC00  }
0x2f: {  	[spmem:s3] =	stream.indirect.scatter.add.f32 [tilespmem:s20], [sflag:$0x5], $0x28, s24, s19, $0xb8;
	[tilespmem:$0x1BA00] =	vst v63  }
0x30: {  	_ =	swait.ge [sflag:s26], $0x1400  }
0x31: {  	[sflag:s26] =	ssyncset.done $0x0  }
0x32: {  	s22 =	simm.s32 $0x5280;
	[sflag:s26] =	ssyncadd.s32 $0xFFFFEC00  }
0x33: {  	[spmem:s3] =	stream.indirect.scatter.add.f32 [tilespmem:s21], [sflag:$0x6], $0x28, s22, s19, $0xb8;
	[tilespmem:$0x1BA00] =	vst v63  }
0x34: {  	_ =	swait.ge [sflag:s28], $0x1400  }
0x35: {  	[sflag:s28] =	ssyncset.done $0x0  }
0x36: {  	s24 =	simm.s32 $0x5300;
	[sflag:s28] =	ssyncadd.s32 $0xFFFFEC00  }
0x37: {  	[spmem:s3] =	stream.indirect.scatter.add.f32 [tilespmem:s23], [sflag:$0x7], $0x28, s24, s19, $0xb8;
	[tilespmem:$0x1BA00] =	vst v63  }
0x38: {  	_ =	swait.ge [sflag:s29], $0x1400  }
0x39: {  	[sflag:s29] =	ssyncset.done $0x0  }
0x3a: {  	s22 =	simm.s32 $0x5380;
	[sflag:s29] =	ssyncadd.s32 $0xFFFFEC00  }
0x3b: {  	[spmem:s3] =	stream.indirect.scatter.add.f32 [tilespmem:s25], [sflag:$0x8], $0x28, s22, s19, $0xb8;
	[tilespmem:$0x1BA00] =	vst v63  }
0x3c: {  	_ =	swait.ge [sflag:s14], $0x1400  }
0x3d: {  	[sflag:s14] =	ssyncset.done $0x0  }
0x3e: {  	s24 =	simm.s32 $0x200;
	[sflag:s14] =	ssyncadd.s32 $0xFFFFEC00  }
0x3f: {  	[tilespmem:s20], [sflag:$0x1] =	stream.indirect.gather [spmem:s2], $0x28, s24, s19, $0xb8;
	[tilespmem:$0x1BA00] =	vst v63  }
0x40: {  	_ =	swait.ge [sflag:s30], $0x1400  }
0x41: {  	[sflag:s30] =	ssyncset.done $0x0  }
0x42: {  	s22 =	simm.s32 $0x280;
	[sflag:s30] =	ssyncadd.s32 $0xFFFFEC00  }
0x43: {  	[tilespmem:s21], [sflag:$0x2] =	stream.indirect.gather [spmem:s2], $0x28, s22, s19, $0xb8;
	[tilespmem:$0x1BA00] =	vst v63  }
0x44: {  	_ =	swait.ge [sflag:s31], $0x1400  }
0x45: {  	[sflag:s31] =	ssyncset.done $0x0  }
0x46: {  	s24 =	simm.s32 $0x300;
	[sflag:s31] =	ssyncadd.s32 $0xFFFFEC00  }
0x47: {  	[tilespmem:s23], [sflag:$0x3] =	stream.indirect.gather [spmem:s2], $0x28, s24, s19, $0xb8;
	[tilespmem:$0x1BA00] =	vst v63  }
0x48: {  	_ =	swait.ge [sflag:s1], $0x1400  }
0x49: {  	[sflag:s1] =	ssyncset.done $0x0  }
0x4a: {  	s18 =	simm.s32 $0x800;
	s22 =	simm.s32 $0x380;
	[sflag:s1] =	ssyncadd.s32 $0xFFFFEC00  }
.LBB2_2:
0x4b: {  	[tilespmem:s25], [sflag:$0x4] =	stream.indirect.gather [spmem:s2], $0x28, s22, s19, $0xb8;
	[tilespmem:$0x1BA00] =	vst v63  }
0x4c: {  	s22 =	smov.u32 s18  }
0x4d: {  	p0 =	sne.s32 s18, $0x13800;
	s18 =	sadd.s32 $0x800, s18;
	_ =	swait.ge [sflag:s13], $0x1400  }
0x4e: {  	s22 =	sshra.s32 s22, $0x2;
	[sflag:s13] =	ssyncset.done $0x0  }
0x4f: {  	s24 =	sadd.s32 $0x5200, s22;
	[sflag:s13] =	ssyncadd.s32 $0xFFFFEC00  }
0x50: {  	[spmem:s3] =	stream.indirect.scatter.add.f32 [tilespmem:s20], [sflag:$0x5], $0x28, s24, s19, $0xb8;
	[tilespmem:$0x1BA00] =	vst v63  }
0x51: {  	_ =	swait.ge [sflag:s26], $0x1400  }
0x52: {  	[sflag:s26] =	ssyncset.done $0x0  }
0x53: {  	s24 =	sadd.s32 $0x5280, s22;
	[sflag:s26] =	ssyncadd.s32 $0xFFFFEC00  }
0x54: {  	[spmem:s3] =	stream.indirect.scatter.add.f32 [tilespmem:s21], [sflag:$0x6], $0x28, s24, s19, $0xb8;
	[tilespmem:$0x1BA00] =	vst v63  }
0x55: {  	_ =	swait.ge [sflag:s28], $0x1400  }
0x56: {  	[sflag:s28] =	ssyncset.done $0x0  }
0x57: {  	s24 =	sadd.s32 $0x5300, s22;
	[sflag:s28] =	ssyncadd.s32 $0xFFFFEC00  }
0x58: {  	[spmem:s3] =	stream.indirect.scatter.add.f32 [tilespmem:s23], [sflag:$0x7], $0x28, s24, s19, $0xb8;
	[tilespmem:$0x1BA00] =	vst v63  }
0x59: {  	_ =	swait.ge [sflag:s29], $0x1400  }
0x5a: {  	[sflag:s29] =	ssyncset.done $0x0  }
0x5b: {  	s24 =	sadd.s32 $0x5380, s22;
	[sflag:s29] =	ssyncadd.s32 $0xFFFFEC00  }
0x5c: {  	[spmem:s3] =	stream.indirect.scatter.add.f32 [tilespmem:s25], [sflag:$0x8], $0x28, s24, s19, $0xb8;
	[tilespmem:$0x1BA00] =	vst v63  }
0x5d: {  	_ =	swait.ge [sflag:s14], $0x1400  }
0x5e: {  	[sflag:s14] =	ssyncset.done $0x0  }
0x5f: {  	s24 =	sadd.s32 $0x200, s22;
	[sflag:s14] =	ssyncadd.s32 $0xFFFFEC00  }
0x60: {  	[tilespmem:s20], [sflag:$0x1] =	stream.indirect.gather [spmem:s2], $0x28, s24, s19, $0xb8;
	[tilespmem:$0x1BA00] =	vst v63  }
0x61: {  	_ =	swait.ge [sflag:s30], $0x1400  }
0x62: {  	[sflag:s30] =	ssyncset.done $0x0  }
0x63: {  	s24 =	sadd.s32 $0x280, s22;
	[sflag:s30] =	ssyncadd.s32 $0xFFFFEC00  }
0x64: {  	[tilespmem:s21], [sflag:$0x2] =	stream.indirect.gather [spmem:s2], $0x28, s24, s19, $0xb8;
	[tilespmem:$0x1BA00] =	vst v63  }
0x65: {  	_ =	swait.ge [sflag:s31], $0x1400  }
0x66: {  	[sflag:s31] =	ssyncset.done $0x0  }
.Ltmp0:
0x67: {  	s24 =	sadd.s32 $0x300, s22;
	[sflag:s31] =	ssyncadd.s32 $0xFFFFEC00;
	(pc) =	sbr.rel @p0 .LBB2_2-.Ltmp0, $4  }
0x68: {  	[tilespmem:s23], [sflag:$0x3] =	stream.indirect.gather [spmem:s2], $0x28, s24, s19, $0xb8;
	[tilespmem:$0x1BA00] =	vst v63  }
0x69: {  	_ =	swait.ge [sflag:s1], $0x1400  }
0x6a: {  	[sflag:s1] =	ssyncset.done $0x0  }
0x6b: {  	s22 =	sadd.s32 $0x380, s22;
	[sflag:s1] =	ssyncadd.s32 $0xFFFFEC00  }
0x6c: {  	[tilespmem:s25], [sflag:$0x4] =	stream.indirect.gather [spmem:s2], $0x28, s22, s19, $0xb8;
	[tilespmem:$0x1BA00] =	vst v63  }
0x6d: {  	_ =	swait.ge [sflag:s13], $0x1400  }
0x6e: {  	[sflag:s13] =	ssyncset.done $0x0  }
0x6f: {  	[sflag:s13] =	ssyncadd.s32 $0xFFFFEC00  }
0x70: {  	_ =	swait.ge [sflag:s26], $0x1400  }
0x71: {  	[sflag:s26] =	ssyncset.done $0x0  }
0x72: {  	[sflag:s26] =	ssyncadd.s32 $0xFFFFEC00  }
0x73: {  	_ =	swait.ge [sflag:s28], $0x1400  }
0x74: {  	[sflag:s28] =	ssyncset.done $0x0  }
0x75: {  	[sflag:s28] =	ssyncadd.s32 $0xFFFFEC00  }
0x76: {  	_ =	swait.ge [sflag:s29], $0x1400  }
0x77: {  	s0 =	sadd.s32 $0x1, s0;
	[sflag:s29] =	ssyncset.done $0x0  }
0x78: {  	p0 =	sne.s32 s0, s11;
	[sflag:s29] =	ssyncadd.s32 $0xFFFFEC00  }
.Ltmp1:
0x79: {  	[bflag:$0x0] =	sbarrier.arrive $0xFFFF;
	(pc) =	sbr.rel @p0 .LBB2_1-.Ltmp1, $4  }
0x7a: {  	[hbm:s10@s15], [sflag:s6] =	dma.strided [spmem:s17@s14], $0xC80, s13, $0x5   }
0x7b: {  	_ =	swait.ge [sflag:s16], $0xC80  }
0x7c: {  	[sflag:s16] =	ssyncset.done $0x0  }
0x7d: {  	[sflag:s16] =	ssyncadd.s32 $0xFFFFF380  }
0x7e: {  	_ =	sfence.sel $0x180000  }
0x7f: {  	[bflag:$0x0] =	sbarrier.arrive $0xFFFF  }
0x80: {  	_ =	strace $0x90000047  }
0x81: {  	s0 =	stileid.u32;
	[bflag:$0x2] =	sbarrier.arrive $0xFFFF  }
0x82: {  	p0 =	sne.s32 s0, $0x0;
	s0 =	rddreg [dreg:$0x3]  }
0x83: {  	s0 =	sadd.s32 @!p0 $0x100000, s0  }
0x84: {  	[sflag:s0] =	ssyncadd.tile.s32 @!p0 $0x1;
	_ =	shalt  }
.Lfunc_end2:
_tile_overlayer_lowered:
.L_overlay_start_2:
0x85: {  	(tag) =	ssettag $0x2  }
0x86: {  	s0 =	rddreg [dreg:$0x0];
	s2 =	stileid.u32  }
0x87: {  	s1 =	rddreg [dreg:$0x1];
	p0 =	sne.s32 s2, $0x0  }
0x88: {  	s3 =	rddreg [dreg:$0x2];
	[bflag:$0x3] =	sbarrier.arrive $0xFFFF;
	s2 =	simm.s32 @!p0 $0x1C09  }
0x89: {  	[timem:s3], [sflag:s2] =	dma.local @!p0 [hbm:s0], s1  }
0x8a: {  	s0 =	simm.s32 @!p0 $0x9  }
0x8b: {  	_ =	swait.ge @!p0 [sflag:s0], s1  }
0x8c: {  	s1 =	ssub.s32 @!p0 $0x0, s1;
	[sflag:s0] =	ssyncset.done @!p0 $0x0  }
0x8d: {  	[sflag:s0] =	ssyncadd.s32 @!p0 s1  }
0x8e: {  	[bflag:$0x3] =	sbarrier.arrive $0xFFFF  }
0x8f: {  	_ =	shalt  }

// kernel: kernel.9.cloned.1.call-start
scs
__scs_entry_jumppad:
0x0: {  	(pc) =	sbr.rel $0x88, $3  }
0x1: {  	(tag) =	ssettag $0x0;
	lr =	simm.s32 $0x1  }
0x2: {  	[smem:$0x3F99] =	sst lr;
	_ =	strace $0xD0000000  }
0x3: {  	_ = 	snop  }
0x4: {  	_ = 	snop  }
0x5: {  	_ = 	snop  }
0x6: {  	_ = 	snop  }
0x7: {  	_ = 	snop  }
__scs_overlays_trampoline_lowered:
0x8: {  	[smem:$0x3FA8] =	sst s0  }
0x9: {  	[smem:$0x3FA9] =	sst s1  }
0xa: {  	[smem:$0x3FAA] =	sst s2  }
0xb: {  	[smem:$0x3FAB] =	sst s3  }
0xc: {  	[smem:$0x3FAC] =	sst s4  }
0xd: {  	[smem:$0x3FAD] =	sst s5  }
0xe: {  	[smem:$0x3FAE] =	sst s6  }
0xf: {  	[smem:$0x3FAF] =	sst s7  }
0x10: {  	[smem:$0x3FB0] =	sst s8  }
0x11: {  	[smem:$0x3FB1] =	sst s9;
	s0 =	simm.s32 @!p0 $0x0  }
0x12: {  	s1 =	sld [smem:$0x3F97];
	s0 =	simm.s32 @p0 $0x1  }
0x13: {  	[smem:$0x3FB2] =	sst s0;
	s0 =	simm.s32 @!p1 $0x0  }
0x14: {  	s2 =	sld [smem:$0x3F96];
	s0 =	simm.s32 @p1 $0x1  }
0x15: {  	[smem:$0x3FB3] =	sst s0;
	s0 =	simm.s32 @!p2 $0x0  }
0x16: {  	s3 =	sld [smem:$0x3FDB];
	s0 =	simm.s32 @p2 $0x1  }
0x17: {  	s4 =	simm.s32 $0x1BF5;
	[smem:$0x3FB5] =	sst s0  }
0x18: {  	s0 =	sld [smem:$0x3F98];
	_ =	swait.ge [sflag:s4], $0x0  }
0x19: {  	s7 =	sld [smem:$0x3F99]  }
0x1a: {  	s8 =	sadd.s32 $0xFFFFE003, lr  }
0x1b: {  	s9 =	sadd.s32 $0xFFFFFEF7, lr;
	s5 =	simm.s32 $0xFFFFFFFF;
	p2 =	slt.u32 s8, $0xFFFFF086  }
0x1c: {  	p1 =	slt.u32 s9, $0xF7A;
	s5 =	simm.s32 @!p2 $0x0  }
0x1d: {  	s5 =	simm.s32 @p1 $0x1;
	p0 =	seq.s32 s7, s2  }
0x1e: {  	s7 =	smul.u32 @!p0 $0xF7A, s2;
	p2 =	seq.s32 @!p0 s5, $0x0  }
0x1f: {  	s9 =	smul.u32 $0xF7A, s1;
	s8 =	simm.s32 @!p0 $0x1BF5;
	p2 =	por !p2, p0  }
0x20: {  	[sflag:s8] =	ssyncset.s32 @!p0 $0xFFFFF086;
	s6 =	sadd.s32 @!p0 s3, s7;
	s7 =	simm.s32 @!p0 $0x108  }
0x21: {  	s3 =	sadd.s32 s3, s9;
	s6 =	sadd.s32 @!p0 $0x88, s6;
	s7 =	simm.s32 @p2 $0x1082  }
0x22: {  	[simem:s7], [sflag:s8] =	dma.local @!p0 [hbm:s6], $0xF7A  }
0x23: {  	s9 =	sor.u32 $0xD0000000, s2;
	s6 =	simm.s32 $0x108;
	_ =	swait.ge @!p0 [sflag:s8], $0x0  }
0x24: {  	s3 =	sadd.s32 $0x88, s3;
	s6 =	simm.s32 @!p1 $0x1082;
	[sflag:s4] =	ssyncset.s32 $0xFFFFF086  }
0x25: {  	[simem:s6], [sflag:s4] =	dma.local [hbm:s3], $0xF7A  }
0x26: {  	[smem:$0x3F99] =	sst s1;
	(tag) =	ssettag s2;
	_ =	strace s9  }
0x27: {  	s1 =	sld [smem:$0x3FA9]  }
0x28: {  	s2 =	sld [smem:$0x3FAA]  }
0x29: {  	s4 =	sld [smem:$0x3FAC]  }
0x2a: {  	p0 =	seq.s32 s5, $0x0;
	s5 =	sld [smem:$0x3FAD]  }
0x2b: {  	s6 =	sld [smem:$0x3FAE]  }
0x2c: {  	s7 =	sld [smem:$0x3FAF]  }
0x2d: {  	s3 =	simm.s32 $0x108;
	s8 =	sld [smem:$0x3FB0]  }
0x2e: {  	s3 =	simm.s32 @!p0 $0x1082;
	s9 =	sld [smem:$0x3FB1]  }
0x2f: {  	lr =	sadd.s32 s0, s3;
	s0 =	sld [smem:$0x3FA8]  }
0x30: {  	s3 =	sld [smem:$0x3FAB]  }
0x31: {  	[smem:$0x3FB4] =	sst s10  }
0x32: {  	s10 =	sld [smem:$0x3FB2];
	_ =	sdelay $0x3  }
0x33: {  	p0 =	seq.s32 s10, $0x1;
	s10 =	sld [smem:$0x3FB4];
	_ =	sdelay $0x3  }
0x34: {  	[smem:$0x3FB4] =	sst s10  }
0x35: {  	s10 =	sld [smem:$0x3FB3];
	_ =	sdelay $0x3  }
0x36: {  	p1 =	seq.s32 s10, $0x1;
	s10 =	sld [smem:$0x3FB4];
	_ =	sdelay $0x3  }
0x37: {  	[smem:$0x3FB4] =	sst s10  }
0x38: {  	s10 =	sld [smem:$0x3FB5]  }
0x39: {  	_ = 	snop;
	(pc) =	sbr.ind lr, $3  }
0x3a: {  	_ = 	snop  }
0x3b: {  	_ = 	snop  }
0x3c: {  	p2 =	seq.s32 s10, $0x1;
	s10 =	sld [smem:$0x3FB4]  }
0x3d: {  	_ =	shalt  }
0x3e: {  	_ =	shalt  }
0x3f: {  	_ =	shalt  }
0x40: {  	_ =	shalt  }
0x41: {  	_ =	shalt  }
0x42: {  	_ =	shalt  }
0x43: {  	_ =	shalt  }
0x44: {  	_ =	shalt  }
0x45: {  	_ =	shalt  }
0x46: {  	_ =	shalt  }
0x47: {  	_ =	shalt  }
0x48: {  	_ =	shalt  }
0x49: {  	_ =	shalt  }
0x4a: {  	_ =	shalt  }
0x4b: {  	_ =	shalt  }
0x4c: {  	_ =	shalt  }
0x4d: {  	_ =	shalt  }
0x4e: {  	_ =	shalt  }
0x4f: {  	_ =	shalt  }
0x50: {  	_ =	shalt  }
0x51: {  	_ =	shalt  }
0x52: {  	_ =	shalt  }
0x53: {  	_ =	shalt  }
0x54: {  	_ =	shalt  }
0x55: {  	_ =	shalt  }
0x56: {  	_ =	shalt  }
0x57: {  	_ =	shalt  }
0x58: {  	_ =	shalt  }
0x59: {  	_ =	shalt  }
0x5a: {  	_ =	shalt  }
0x5b: {  	_ =	shalt  }
0x5c: {  	_ =	shalt  }
0x5d: {  	_ =	shalt  }
0x5e: {  	_ =	shalt  }
0x5f: {  	_ =	shalt  }
0x60: {  	_ =	shalt  }
0x61: {  	_ =	shalt  }
0x62: {  	_ =	shalt  }
0x63: {  	_ =	shalt  }
0x64: {  	_ =	shalt  }
0x65: {  	_ =	shalt  }
0x66: {  	_ =	shalt  }
0x67: {  	_ =	shalt  }
0x68: {  	_ =	shalt  }
0x69: {  	_ =	shalt  }
0x6a: {  	_ =	shalt  }
0x6b: {  	_ =	shalt  }
0x6c: {  	_ =	shalt  }
0x6d: {  	_ =	shalt  }
0x6e: {  	_ =	shalt  }
0x6f: {  	_ =	shalt  }
0x70: {  	_ =	shalt  }
0x71: {  	_ =	shalt  }
0x72: {  	_ =	shalt  }
0x73: {  	_ =	shalt  }
0x74: {  	_ =	shalt  }
0x75: {  	_ =	shalt  }
0x76: {  	_ =	shalt  }
0x77: {  	_ =	shalt  }
0x78: {  	_ =	shalt  }
0x79: {  	_ =	shalt  }
0x7a: {  	_ =	shalt  }
0x7b: {  	_ =	shalt  }
0x7c: {  	_ =	shalt  }
0x7d: {  	_ =	shalt  }
0x7e: {  	_ =	shalt  }
0x7f: {  	_ =	shalt  }
0x80: {  	_ =	shalt  }
0x81: {  	_ =	shalt  }
0x82: {  	_ =	shalt  }
0x83: {  	_ =	shalt  }
0x84: {  	_ =	shalt  }
0x85: {  	_ =	shalt  }
0x86: {  	_ =	shalt  }
0x87: {  	_ =	shalt  }
.Lfunc_end0:
.L_simem_size_0:
called_computation.1_lowered:
.L_overlay_start_0:
0x88: {  	s2 =	sld [smem:$0x3FD9]  }
0x89: {  	s3 =	sld [smem:$0x3FFE];
	_ =	sdelay $0x1  }
0x8a: {  	s1 =	srdreg.scid  }
0x8b: {  	s0 =	sand.u32 $0x1, s1  }
0x8c: {  	s17 =	sshll.u32 s0, $0xA;
	s2 =	sadd.s32 s3, s2  }
0x8d: {  	s2 =	sadd.s32 s2, s17  }
0x8e: {  	[smem:$0x3FC0] =	sst s2  }
0x8f: {  	_ = 	snop  }
0x90: {  	s2 =	sld [smem:$0x3FC3]  }
0x91: {  	s18 =	sld [smem:$0x3FD0];
	(tm) =	ssettm $0x1  }
0x92: {  	s4 =	sld [smem:$0x3FFB];
	_ =	sdelay $0x3  }
0x93: {  	_ =	strace s4  }
0x94: {  	s4 =	sld [smem:$0x3FFC];
	_ =	sdelay $0x3  }
0x95: {  	_ =	strace s4  }
0x96: {  	s4 =	sld [smem:$0x3FFD];
	_ =	sdelay $0x3  }
0x97: {  	_ =	strace s4  }
0x98: {  	_ =	strace $0x8FFFFFFF  }
0x99: {  	s19 =	sld [smem:$0x3FDB];
	_ =	sdelay $0x1  }
0x9a: {  	s5 =	simm.s32 $_scs_section_size  }
0x9b: {  	s6 =	simm.s32 $_size__tile_overlayer_lowered;
	s7 =	simm.s32 $_tile_overlayer_lowered  }
0x9c: {  	s22 =	simm.s32 $0x1BFF;
	s21 =	sshll.u32 s7, $0x1;
	s4 =	sadd.s32 s5, s19  }
0x9d: {  	s8 =	simm.s32 $0x0;
	s20 =	sshll.u32 s6, $0x1;
	s6 =	sadd.s32 s21, s4  }
0x9e: {  	[timem:s8], [sflag:s22] =	dma.local [hbm:s6], s20  }
0x9f: {  	_ =	swait.ge [sflag:s22], s20  }
0xa0: {  	s5 =	ssub.s32 $0x0, s20;
	[sflag:s22] =	ssyncset.done $0x0  }
0xa1: {  	[sflag:s22] =	ssyncadd.s32 s5;
	_ =	sdelay $0x1  }
0xa2: {  	s23 =	simm.s32 $0x1B8B  }
0xa3: {  	_ =	swait.ge [sflag:s23], $0x1  }
0xa4: {  	[sflag:s23] =	ssyncset.done $0x0  }
0xa5: {  	s25 =	simm.s32 $0x1B8E;
	s24 =	sld [smem:$0x3FFE];
	[sflag:s23] =	ssyncadd.s32 $0xFFFFFFFF  }
0xa6: {  	s26 =	simm.s32 $execute0_lowered;
	[smem:$0x3FD2] =	sst s25  }
0xa7: {  	s6 =	sshll.u32 s26, $0x1;
	_ =	strace $0x80000049;
	[dreg:$0x1] =	wrdreg $0xFFFFFFFF  }
0xa8: {  	s28 =	simm.s32 $_size_execute0_lowered;
	s4 =	sadd.s32 s4, s6;
	[dreg:$0x0] =	wrdreg $0x0  }
0xa9: {  	s6 =	sshll.u32 s28, $0x1;
	[dreg:$0x2] =	wrdreg s4  }
0xaa: {  	[dreg:$0x3] =	wrdreg s6  }
0xab: {  	[dreg:$0x4] =	wrdreg $0xC0  }
0xac: {  	_ =	task [dreg:s8], $0x5FFFF  }
0xad: {  	[dreg:$0x1] =	wrdreg $0xFFFFFFFF  }
0xae: {  	[dreg:$0x0] =	wrdreg $0x60  }
0xaf: {  	[dreg:$0x2] =	wrdreg s24  }
0xb0: {  	[dreg:$0x3] =	wrdreg s18  }
0xb1: {  	[dreg:$0x4] =	wrdreg s2  }
0xb2: {  	[dreg:$0x5] =	wrdreg $0x145000  }
0xb3: {  	[dreg:$0x6] =	wrdreg $0x16D000  }
0xb4: {  	[dreg:$0x7] =	wrdreg $0x9  }
0xb5: {  	_ =	task.clear_ibuf [dreg:s8], $0x8FFFF;
	_ =	strace $0x90000049  }
0xb6: {  	s29 =	simm.s32 $0x9;
	_ =	strace $0x8000004B  }
0xb7: {  	_ =	swait.ge [sflag:s29], $0x1  }
0xb8: {  	[sflag:s29] =	ssyncadd.s32 $0xFFFFFFFF  }
0xb9: {  	_ =	strace $0x9000004B  }
0xba: {  	_ =	sfence  }
0xbb: {  	s30 =	sld [smem:$0x0];
	_ =	sdelay $0x2  }
0xbc: {  	s31 =	sshll.u32 s1, $0xD;
	s1 =	sshrl.u32 s1, $0x2  }
0xbd: {  	s3 =	sand.u32 $0x4000, s31;
	s1 =	sadd.s32 s1, s30  }
0xbe: {  	s0 =	sor.u32 s3, s0;
	s1 =	sshll.u32 s1, $0x11  }
0xbf: {  	s0 =	sor.u32 s1, s0  }
0xc0: {  	s0 =	sadd.s32 $0x8F2B, s0  }
0xc1: {  	[sflag:s0] =	ssyncadd.remote.s32 $0x1  }
0xc2: {  	_ =	sfence.sel $0xFFFF  }
0xc3: {  	[dreg:$0x0] =	wrdreg $0xFFFFFFFF;
	(pc) =	sbr.abs _section_cstart, $3  }
0xc4: {  	[dreg:$0x1] =	wrdreg $0xFFFFFFFF  }
0xc5: {  	_ =	task.clear_ibuf [dreg:s8], $0x2FFFF;
	_ =	strace $0x9FFFFFFF  }
0xc6: {  	(tm) =	ssettm $0x7FFFFFFF  }
0xc7: {  	_ =	shalt  }
tec
execute0_lowered:
.L_overlay_start_1:
0x0: {  	(tag) =	ssettag $0x1  }
0x1: {  	s0 =	rddreg [dreg:$0x0]  }
0x2: {  	s1 =	rddreg [dreg:$0x1]  }
0x3: {  	s13 =	rddreg [dreg:$0x2]  }
0x4: {  	s2 =	rddreg [dreg:$0x3]  }
0x5: {  	s3 =	rddreg [dreg:$0x4];
	s14 =	stileid.u32  }
0x6: {  	s4 =	simm.s32 $0x0;
	s7 =	srdreg.scid;
	s5 =	smul.u32 $0xAA0, s14  }
0x7: {  	s17 =	simm.s32 $0x1;
	s18 =	simm.s32 $0x2;
	s6 =	smul.u32 $0xA00, s14  }
0x8: {  	s20 =	simm.s32 $0x3;
	s19 =	simm.s32 $0x20;
	s22 =	smul.u32 $0x5000, s14  }
0x9: {  	s29 =	simm.s32 $0x1BF90;
	s30 =	simm.s32 $0x0;
	s23 =	smul.u32 $0x50, s14  }
0xa: {  	[smem:$0x7FF] =	sst s4;
	s11 =	sand.u32 $0x1, s7;
	s8 =	smul.u32 $0x2800, s14  }
0xb: {  	s26 =	sshll.u32 s14, $0x6;
	_ =	strace $0x8000004A;
	s7 =	sshll.u32 s11, $0x4  }
0xc: {  	s24 =	ssub.s32 $0x2, s11;
	s31 =	sshll.u32 s11, $0x1;
	s9 =	sadd.s32 s5, s0  }
0xd: {  	s10 =	sadd.s32 s6, s0;
	s5 =	sor.u32 s7, s22;
	s12 =	sadd.s32 s23, s0  }
0xe: {  	s25 =	sshrl.u32 s24, $0x1;
	s16 =	sadd.s32 s8, s2;
	s28 =	sshrl.u32 s8, $0x3  }
0xf: {  	s6 =	sor.u32 $0x1C03, s26;
	s7 =	sadd.s32 s8, s3;
	s13 =	sadd.s32 s13, s31  }
0x10: {  	s22 =	simm.s32 $0x5500;
	s23 =	simm.s32 $0x500;
	s5 =	sshrl.u32 s5, $0x3  }
0x11: {  	s15 =	ssub.s32 s24, s25;
	s8 =	sadd.s32 s1, s28;
	s9 =	sadd.s32 $0x41400, s9  }
0x12: {  	s10 =	sadd.s32 $0x4BE00, s10;
	s11 =	sadd.s32 $0x14400, s12;
	s16 =	sshrl.u32 s16, $0x3  }
0x13: {  	s21 =	sshrl.u32 s7, $0x3;
	s24 =	simm.s32 $0xA500;
	s25 =	simm.s32 $0xF500  }
0x14: {  	s1 =	simm.s32 $0x10;
	s0 =	sadd.s32 s5, s0;
	s15 =	smax.u32 s15, $0x1  }
0x15: {  	s5 =	sadd.s32 $0xA400, s0;
	s12 =	sadd.s32 $0x400, s0;
	s14 =	sadd.s32 $0x14A00, s0  }
.LBB2_1:
0x16: {  	s0 =	simm.s32 $0x4  }
0x17: {  	[spmem:s16@s18], [sflag:s6] =	dma.strided [hbm:s5@s0], $0x500, s17, $0x2   }
0x18: {  	_ =	swait.ge [sflag:s20], $0x500  }
0x19: {  	[sflag:s20] =	ssyncset.done $0x0  }
0x1a: {  	[sflag:s20] =	ssyncadd.s32 $0xFFFFFB00  }
0x1b: {  	[spmem:s21], [sflag:s6] =	dma.local [hbm:s8], $0x500  }
0x1c: {  	_ =	swait.ge [sflag:s20], $0x500  }
0x1d: {  	[sflag:s20] =	ssyncset.done $0x0  }
0x1e: {  	[sflag:s20] =	ssyncadd.s32 $0xFFFFFB00  }
0x1f: {  	[tilespmem:s4], [sflag:$0x3] =	stream.linear.gather [hbm4b:s9+s4], $0x5500, $0x38;
	[tilespmem:$0x1E790] =	vst v63  }
0x20: {  	_ =	swait.ge [sflag:s20], $0x5500  }
0x21: {  	[sflag:s20] =	ssyncset.done $0x0  }
0x22: {  	[sflag:s20] =	ssyncadd.s32 $0xFFFFAB00  }
0x23: {  	[tilespmem:s22], [sflag:$0x3] =	stream.linear.gather [hbm4b:s10+s4], $0x5000, $0x38;
	[tilespmem:$0x1E790] =	vst v63  }
0x24: {  	_ =	swait.ge [sflag:s20], $0x5000  }
0x25: {  	[sflag:s20] =	ssyncset.done $0x0  }
0x26: {  	[sflag:s20] =	ssyncadd.s32 $0xFFFFB000  }
0x27: {  	[bflag:$0x0] =	sbarrier.arrive $0xFFFF  }
0x28: {  	[tilespmem:s24], [sflag:$0x1] =	stream.indirect.gather [spmem:s2], $0x10, s4, s23, $0xb8;
	[tilespmem:$0x1E790] =	vst v63  }
0x29: {  	_ = 	snop  }
0x2a: {  	[tilespmem:s25], [sflag:$0x2] =	stream.indirect.gather [spmem:s2], $0x10, s23, s23, $0xb8;
	[tilespmem:$0x1E790] =	vst v63  }
0x2b: {  	_ =	swait.ge [sflag:s17], $0x5000  }
0x2c: {  	[sflag:s17] =	ssyncset.done $0x0  }
0x2d: {  	[sflag:s17] =	ssyncadd.s32 $0xFFFFB000  }
0x2e: {  	[spmem:s3] =	stream.indirect.scatter.add.f32 [tilespmem:s24], [sflag:$0x3], $0x10, s22, s23, $0xb8;
	[tilespmem:$0x1E790] =	vst v63  }
0x2f: {  	_ =	swait.ge [sflag:s20], $0x5000  }
0x30: {  	[sflag:s20] =	ssyncset.done $0x0  }
0x31: {  	s28 =	simm.s32 $0xA00;
	[sflag:s20] =	ssyncadd.s32 $0xFFFFB000  }
0x32: {  	[tilespmem:s24], [sflag:$0x1] =	stream.indirect.gather [spmem:s2], $0x10, s28, s23, $0xb8;
	[tilespmem:$0x1E790] =	vst v63  }
0x33: {  	_ =	swait.ge [sflag:s18], $0x5000  }
0x34: {  	[sflag:s18] =	ssyncset.done $0x0  }
0x35: {  	s26 =	simm.s32 $0x5A00;
	[sflag:s18] =	ssyncadd.s32 $0xFFFFB000  }
0x36: {  	[spmem:s3] =	stream.indirect.scatter.add.f32 [tilespmem:s25], [sflag:$0x3], $0x10, s26, s23, $0xb8;
	[tilespmem:$0x1E790] =	vst v63  }
0x37: {  	_ =	swait.ge [sflag:s20], $0x5000  }
0x38: {  	[sflag:s20] =	ssyncset.done $0x0  }
0x39: {  	s28 =	simm.s32 $0xF00;
	[sflag:s20] =	ssyncadd.s32 $0xFFFFB000  }
0x3a: {  	[tilespmem:s25], [sflag:$0x2] =	stream.indirect.gather [spmem:s2], $0x10, s28, s23, $0xb8;
	[tilespmem:$0x1E790] =	vst v63  }
0x3b: {  	_ =	swait.ge [sflag:s17], $0x5000  }
0x3c: {  	[sflag:s17] =	ssyncset.done $0x0  }
0x3d: {  	s26 =	simm.s32 $0x5F00;
	[sflag:s17] =	ssyncadd.s32 $0xFFFFB000  }
0x3e: {  	[spmem:s3] =	stream.indirect.scatter.add.f32 [tilespmem:s24], [sflag:$0x3], $0x10, s26, s23, $0xb8;
	[tilespmem:$0x1E790] =	vst v63  }
0x3f: {  	_ =	swait.ge [sflag:s20], $0x5000  }
0x40: {  	[sflag:s20] =	ssyncset.done $0x0  }
0x41: {  	s28 =	simm.s32 $0x1400;
	[sflag:s20] =	ssyncadd.s32 $0xFFFFB000  }
0x42: {  	[tilespmem:s24], [sflag:$0x1] =	stream.indirect.gather [spmem:s2], $0x10, s28, s23, $0xb8;
	[tilespmem:$0x1E790] =	vst v63  }
0x43: {  	_ =	swait.ge [sflag:s18], $0x5000  }
0x44: {  	[sflag:s18] =	ssyncset.done $0x0  }
0x45: {  	s26 =	simm.s32 $0x6400;
	[sflag:s18] =	ssyncadd.s32 $0xFFFFB000  }
0x46: {  	[spmem:s3] =	stream.indirect.scatter.add.f32 [tilespmem:s25], [sflag:$0x3], $0x10, s26, s23, $0xb8;
	[tilespmem:$0x1E790] =	vst v63  }
0x47: {  	_ =	swait.ge [sflag:s20], $0x5000  }
0x48: {  	[sflag:s20] =	ssyncset.done $0x0  }
0x49: {  	s28 =	simm.s32 $0x1900;
	[sflag:s20] =	ssyncadd.s32 $0xFFFFB000  }
0x4a: {  	[tilespmem:s25], [sflag:$0x2] =	stream.indirect.gather [spmem:s2], $0x10, s28, s23, $0xb8;
	[tilespmem:$0x1E790] =	vst v63  }
0x4b: {  	_ =	swait.ge [sflag:s17], $0x5000  }
0x4c: {  	[sflag:s17] =	ssyncset.done $0x0  }
0x4d: {  	s26 =	simm.s32 $0x6900;
	[sflag:s17] =	ssyncadd.s32 $0xFFFFB000  }
0x4e: {  	[spmem:s3] =	stream.indirect.scatter.add.f32 [tilespmem:s24], [sflag:$0x3], $0x10, s26, s23, $0xb8;
	[tilespmem:$0x1E790] =	vst v63  }
0x4f: {  	_ =	swait.ge [sflag:s20], $0x5000  }
0x50: {  	[sflag:s20] =	ssyncset.done $0x0  }
0x51: {  	s28 =	simm.s32 $0x1E00;
	[sflag:s20] =	ssyncadd.s32 $0xFFFFB000  }
0x52: {  	[tilespmem:s24], [sflag:$0x1] =	stream.indirect.gather [spmem:s2], $0x10, s28, s23, $0xb8;
	[tilespmem:$0x1E790] =	vst v63  }
0x53: {  	_ =	swait.ge [sflag:s18], $0x5000  }
0x54: {  	[sflag:s18] =	ssyncset.done $0x0  }
0x55: {  	s26 =	simm.s32 $0x6E00;
	[sflag:s18] =	ssyncadd.s32 $0xFFFFB000  }
0x56: {  	[spmem:s3] =	stream.indirect.scatter.add.f32 [tilespmem:s25], [sflag:$0x3], $0x10, s26, s23, $0xb8;
	[tilespmem:$0x1E790] =	vst v63  }
0x57: {  	_ =	swait.ge [sflag:s20], $0x5000  }
0x58: {  	[sflag:s20] =	ssyncset.done $0x0  }
0x59: {  	s28 =	simm.s32 $0x2300;
	[sflag:s20] =	ssyncadd.s32 $0xFFFFB000  }
0x5a: {  	[tilespmem:s25], [sflag:$0x2] =	stream.indirect.gather [spmem:s2], $0x10, s28, s23, $0xb8;
	[tilespmem:$0x1E790] =	vst v63  }
0x5b: {  	_ =	swait.ge [sflag:s17], $0x5000  }
0x5c: {  	[sflag:s17] =	ssyncset.done $0x0  }
0x5d: {  	s26 =	simm.s32 $0x7300;
	[sflag:s17] =	ssyncadd.s32 $0xFFFFB000  }
0x5e: {  	[spmem:s3] =	stream.indirect.scatter.add.f32 [tilespmem:s24], [sflag:$0x3], $0x10, s26, s23, $0xb8;
	[tilespmem:$0x1E790] =	vst v63  }
0x5f: {  	_ =	swait.ge [sflag:s20], $0x5000  }
0x60: {  	[sflag:s20] =	ssyncset.done $0x0  }
0x61: {  	s28 =	simm.s32 $0x2800;
	[sflag:s20] =	ssyncadd.s32 $0xFFFFB000  }
0x62: {  	[tilespmem:s24], [sflag:$0x1] =	stream.indirect.gather [spmem:s2], $0x10, s28, s23, $0xb8;
	[tilespmem:$0x1E790] =	vst v63  }
0x63: {  	_ =	swait.ge [sflag:s18], $0x5000  }
0x64: {  	[sflag:s18] =	ssyncset.done $0x0  }
0x65: {  	s26 =	simm.s32 $0x7800;
	[sflag:s18] =	ssyncadd.s32 $0xFFFFB000  }
0x66: {  	[spmem:s3] =	stream.indirect.scatter.add.f32 [tilespmem:s25], [sflag:$0x3], $0x10, s26, s23, $0xb8;
	[tilespmem:$0x1E790] =	vst v63  }
0x67: {  	_ =	swait.ge [sflag:s20], $0x5000  }
0x68: {  	[sflag:s20] =	ssyncset.done $0x0  }
0x69: {  	s28 =	simm.s32 $0x2D00;
	[sflag:s20] =	ssyncadd.s32 $0xFFFFB000  }
0x6a: {  	[tilespmem:s25], [sflag:$0x2] =	stream.indirect.gather [spmem:s2], $0x10, s28, s23, $0xb8;
	[tilespmem:$0x1E790] =	vst v63  }
0x6b: {  	_ =	swait.ge [sflag:s17], $0x5000  }
0x6c: {  	[sflag:s17] =	ssyncset.done $0x0  }
0x6d: {  	s26 =	simm.s32 $0x7D00;
	[sflag:s17] =	ssyncadd.s32 $0xFFFFB000  }
0x6e: {  	[spmem:s3] =	stream.indirect.scatter.add.f32 [tilespmem:s24], [sflag:$0x3], $0x10, s26, s23, $0xb8;
	[tilespmem:$0x1E790] =	vst v63  }
0x6f: {  	_ =	swait.ge [sflag:s20], $0x5000  }
0x70: {  	[sflag:s20] =	ssyncset.done $0x0  }
0x71: {  	s28 =	simm.s32 $0x3200;
	[sflag:s20] =	ssyncadd.s32 $0xFFFFB000  }
0x72: {  	[tilespmem:s24], [sflag:$0x1] =	stream.indirect.gather [spmem:s2], $0x10, s28, s23, $0xb8;
	[tilespmem:$0x1E790] =	vst v63  }
0x73: {  	_ =	swait.ge [sflag:s18], $0x5000  }
0x74: {  	[sflag:s18] =	ssyncset.done $0x0  }
0x75: {  	s26 =	simm.s32 $0x8200;
	[sflag:s18] =	ssyncadd.s32 $0xFFFFB000  }
0x76: {  	[spmem:s3] =	stream.indirect.scatter.add.f32 [tilespmem:s25], [sflag:$0x3], $0x10, s26, s23, $0xb8;
	[tilespmem:$0x1E790] =	vst v63  }
0x77: {  	_ =	swait.ge [sflag:s20], $0x5000  }
0x78: {  	[sflag:s20] =	ssyncset.done $0x0  }
0x79: {  	s28 =	simm.s32 $0x3700;
	[sflag:s20] =	ssyncadd.s32 $0xFFFFB000  }
0x7a: {  	[tilespmem:s25], [sflag:$0x2] =	stream.indirect.gather [spmem:s2], $0x10, s28, s23, $0xb8;
	[tilespmem:$0x1E790] =	vst v63  }
0x7b: {  	_ =	swait.ge [sflag:s17], $0x5000  }
0x7c: {  	[sflag:s17] =	ssyncset.done $0x0  }
0x7d: {  	s26 =	simm.s32 $0x8700;
	[sflag:s17] =	ssyncadd.s32 $0xFFFFB000  }
0x7e: {  	[spmem:s3] =	stream.indirect.scatter.add.f32 [tilespmem:s24], [sflag:$0x3], $0x10, s26, s23, $0xb8;
	[tilespmem:$0x1E790] =	vst v63  }
0x7f: {  	_ =	swait.ge [sflag:s20], $0x5000  }
0x80: {  	[sflag:s20] =	ssyncset.done $0x0  }
0x81: {  	s28 =	simm.s32 $0x3C00;
	[sflag:s20] =	ssyncadd.s32 $0xFFFFB000  }
0x82: {  	[tilespmem:s24], [sflag:$0x1] =	stream.indirect.gather [spmem:s2], $0x10, s28, s23, $0xb8;
	[tilespmem:$0x1E790] =	vst v63  }
0x83: {  	_ =	swait.ge [sflag:s18], $0x5000  }
0x84: {  	[sflag:s18] =	ssyncset.done $0x0  }
0x85: {  	s26 =	simm.s32 $0x8C00;
	[sflag:s18] =	ssyncadd.s32 $0xFFFFB000  }
0x86: {  	[spmem:s3] =	stream.indirect.scatter.add.f32 [tilespmem:s25], [sflag:$0x3], $0x10, s26, s23, $0xb8;
	[tilespmem:$0x1E790] =	vst v63  }
0x87: {  	_ =	swait.ge [sflag:s20], $0x5000  }
0x88: {  	[sflag:s20] =	ssyncset.done $0x0  }
0x89: {  	s28 =	simm.s32 $0x4100;
	[sflag:s20] =	ssyncadd.s32 $0xFFFFB000  }
0x8a: {  	[tilespmem:s25], [sflag:$0x2] =	stream.indirect.gather [spmem:s2], $0x10, s28, s23, $0xb8;
	[tilespmem:$0x1E790] =	vst v63  }
0x8b: {  	_ =	swait.ge [sflag:s17], $0x5000  }
0x8c: {  	[sflag:s17] =	ssyncset.done $0x0  }
0x8d: {  	s26 =	simm.s32 $0x9100;
	[sflag:s17] =	ssyncadd.s32 $0xFFFFB000  }
0x8e: {  	[spmem:s3] =	stream.indirect.scatter.add.f32 [tilespmem:s24], [sflag:$0x3], $0x10, s26, s23, $0xb8;
	[tilespmem:$0x1E790] =	vst v63  }
0x8f: {  	_ =	swait.ge [sflag:s20], $0x5000  }
0x90: {  	[sflag:s20] =	ssyncset.done $0x0  }
0x91: {  	s28 =	simm.s32 $0x4600;
	[sflag:s20] =	ssyncadd.s32 $0xFFFFB000  }
0x92: {  	[tilespmem:s24], [sflag:$0x1] =	stream.indirect.gather [spmem:s2], $0x10, s28, s23, $0xb8;
	[tilespmem:$0x1E790] =	vst v63  }
0x93: {  	_ =	swait.ge [sflag:s18], $0x5000  }
0x94: {  	[sflag:s18] =	ssyncset.done $0x0  }
0x95: {  	s26 =	simm.s32 $0x9600;
	[sflag:s18] =	ssyncadd.s32 $0xFFFFB000  }
0x96: {  	[spmem:s3] =	stream.indirect.scatter.add.f32 [tilespmem:s25], [sflag:$0x3], $0x10, s26, s23, $0xb8;
	[tilespmem:$0x1E790] =	vst v63  }
0x97: {  	_ =	swait.ge [sflag:s20], $0x5000  }
0x98: {  	[sflag:s20] =	ssyncset.done $0x0  }
0x99: {  	s28 =	simm.s32 $0x4B00;
	[sflag:s20] =	ssyncadd.s32 $0xFFFFB000  }
0x9a: {  	[tilespmem:s25], [sflag:$0x2] =	stream.indirect.gather [spmem:s2], $0x10, s28, s23, $0xb8;
	[tilespmem:$0x1E790] =	vst v63  }
0x9b: {  	_ =	swait.ge [sflag:s17], $0x5000  }
0x9c: {  	[sflag:s17] =	ssyncset.done $0x0  }
0x9d: {  	s26 =	simm.s32 $0x9B00;
	[sflag:s17] =	ssyncadd.s32 $0xFFFFB000  }
0x9e: {  	[spmem:s3] =	stream.indirect.scatter.add.f32 [tilespmem:s24], [sflag:$0x3], $0x10, s26, s23, $0xb8;
	[tilespmem:$0x1E790] =	vst v63  }
0x9f: {  	_ =	swait.ge [sflag:s20], $0x5000  }
0xa0: {  	[sflag:s20] =	ssyncset.done $0x0  }
0xa1: {  	s28 =	simm.s32 $0x5000;
	[sflag:s20] =	ssyncadd.s32 $0xFFFFB000  }
0xa2: {  	[tilespmem:s24], [sflag:$0x1] =	stream.indirect.gather [spmem:s2], $0x10, s28, s23, $0xb8;
	[tilespmem:$0x1E790] =	vst v63  }
0xa3: {  	_ =	swait.ge [sflag:s18], $0x5000  }
0xa4: {  	[sflag:s18] =	ssyncset.done $0x0  }
0xa5: {  	s26 =	simm.s32 $0xA000;
	[sflag:s18] =	ssyncadd.s32 $0xFFFFB000  }
0xa6: {  	[spmem:s3] =	stream.indirect.scatter.add.f32 [tilespmem:s25], [sflag:$0x3], $0x10, s26, s23, $0xb8;
	[tilespmem:$0x1E790] =	vst v63  }
0xa7: {  	_ =	swait.ge [sflag:s20], $0x5000  }
0xa8: {  	[sflag:s20] =	ssyncset.done $0x0  }
0xa9: {  	[sflag:s20] =	ssyncadd.s32 $0xFFFFB000  }
0xaa: {  	_ =	swait.ge [sflag:s17], $0x5000  }
0xab: {  	[sflag:s17] =	ssyncset.done $0x0  }
0xac: {  	[sflag:s17] =	ssyncadd.s32 $0xFFFFB000  }
0xad: {  	s0 =	simm.s32 $0x19500;
	[bflag:$0x0] =	sbarrier.arrive $0xFFFF  }
0xae: {  	[tilespmem:s0], [sflag:$0x3] =	stream.linear.gather [hbm4b:s11+s4], $0x280, $0x38;
	[tilespmem:$0x1E790] =	vst v63  }
0xaf: {  	_ =	swait.ge [sflag:s20], $0x280  }
0xb0: {  	[sflag:s20] =	ssyncset.done $0x0  }
0xb1: {  	s26 =	simm.s32 $0x19780;
	[sflag:s20] =	ssyncadd.s32 $0xFFFFFD80  }
0xb2: {  	[tilespmem:s26], [sflag:$0x3] =	stream.strided.gather [hbm4b:s12+s1], $0x2800, s19, s1, $0x38;
	[tilespmem:$0x1E790] =	vst v63  }
0xb3: {  	_ =	swait.ge [sflag:s20], $0x2800  }
0xb4: {  	[sflag:s20] =	ssyncset.done $0x0  }
0xb5: {  	s28 =	simm.s32 $0x1BF80;
	[sflag:s20] =	ssyncadd.s32 $0xFFFFD800  }
0xb6: {  	[tilespmem:s28], [sflag:$0x3] =	stream.linear.gather [hbm4b:s13+s4], $0x10, $0x38;
	[tilespmem:$0x1E790] =	vst v63  }
0xb7: {  	_ =	swait.ge [sflag:s20], $0x10  }
0xb8: {  	[sflag:s20] =	ssyncset.done $0x0  }
0xb9: {  	[sflag:s20] =	ssyncadd.s32 $0xFFFFFFF0  }
0xba: {  	[tilespmem:s29], [sflag:$0x3] =	stream.linear.gather [spmem:s7], $0x2800, $0x38;
	[tilespmem:$0x1E790] =	vst v63  }
0xbb: {  	_ =	swait.ge [sflag:s20], $0x2800  }
0xbc: {  	[sflag:s20] =	ssyncset.done $0x0  }
0xbd: {  	[sflag:s20] =	ssyncadd.s32 $0xFFFFD800  }
0xbe: {  	s31 =	simm.s32 $0x0;
	v0 =	vld [tilespmem:$0x1BF80]  }
0xbf: {  	v8 =	vld [tilespmem:s31+$0x19780]  }
0xc0: {  	v9 =	vld [tilespmem:s31+$0x19790]  }
0xc1: {  	v6 =	vld [tilespmem:s31+$0x197A0]  }
0xc2: {  	v7 =	vld [tilespmem:s31+$0x197B0]  }
0xc3: {  	v5 =	vld [tilespmem:s31+$0x197C0]  }
0xc4: {  	v4 =	vld [tilespmem:s31+$0x197D0]  }
0xc5: {  	v3 =	vld [tilespmem:s31+$0x197E0]  }
0xc6: {  	v2 =	vld [tilespmem:s31+$0x197F0]  }
0xc7: {  	v10 =	vld [tilespmem:s31+$0x1BFC0]  }
0xc8: {  	s26 =	simm.s32 $0x400;
	v1 =	vld [tilespmem:s0+$0x0]  }
.LBB2_2:
0xc9: {  	p0 =	sne.s32 s26, $0x9C00;
	v11 =	vld [tilespmem:s31+$0x1BFA0]  }
0xca: {  	v12 =	vld [tilespmem:s31+$0x1BF90]  }
0xcb: {  	v13 =	vld [tilespmem:s31+$0x1BFB0]  }
0xcc: {  	v14 =	vld [tilespmem:s31+$0x19800]  }
0xcd: {  	v15 =	vbroadcast v1, $0x0;
	v16 =	vbroadcast v1, $0x1;
	v17 =	vld [tilespmem:s31+$0x19810]  }
0xce: {  	v18 =	vbroadcast v1, $0x2;
	v19 =	vbroadcast v1, $0x3;
	v20 =	vld [tilespmem:s31+$0x1BFD0]  }
0xcf: {  	v12 =	vmul.f32 v15, v12;
	v11 =	vmul.f32 v11, v16;
	v15 =	vld [tilespmem:s31+$0x1BFE0]  }
0xd0: {  	v10 =	vmul.f32 v10, v19;
	v13 =	vmul.f32 v13, v18;
	v16 =	vld [tilespmem:s31+$0x1C020]  }
0xd1: {  	v18 =	vbroadcast v1, $0x4;
	v12 =	vadd.f32 v12, v0;
	v11 =	vadd.f32 v11, v0;
	v19 =	vld [tilespmem:s31+$0x1C000]  }
0xd2: {  	v21 =	vbroadcast v1, $0x5;
	v10 =	vadd.f32 v10, v0;
	v13 =	vadd.f32 v13, v0;
	v22 =	vld [tilespmem:s31+$0x1BFF0]  }
0xd3: {  	v8 =	vadd.f32 v12, v8;
	v9 =	vadd.f32 v11, v9;
	v11 =	vmul.f32 v20, v18;
	v12 =	vld [tilespmem:s31+$0x1C010]  }
0xd4: {  	v7 =	vadd.f32 v10, v7;
	v6 =	vadd.f32 v13, v6;
	v10 =	vmul.f32 v15, v21;
	v13 =	vld [tilespmem:s31+$0x19820]  }
0xd5: {  	v15 =	vbroadcast v1, $0x7;
	[tilespmem:s31+$0x1BF90] =	vst v8;
	v8 =	vadd.f32 v11, v0;
	v11 =	vbroadcast v1, $0x6;
	v18 =	vld [tilespmem:s31+$0x19830]  }
0xd6: {  	v20 =	vbroadcast v1, $0x9;
	[tilespmem:s31+$0x1BFA0] =	vst v9;
	v9 =	vadd.f32 v10, v0;
	v10 =	vbroadcast v1, $0x8;
	v21 =	vld [tilespmem:s31+$0x1C030]  }
0xd7: {  	[tilespmem:s31+$0x1BFB0] =	vst v6;
	v5 =	vadd.f32 v8, v5;
	v6 =	vmul.f32 v22, v11;
	v8 =	vmul.f32 v19, v15;
	v11 =	vld [tilespmem:s31+$0x1C040]  }
0xd8: {  	[tilespmem:s31+$0x1BFC0] =	vst v7;
	v4 =	vadd.f32 v9, v4;
	v7 =	vmul.f32 v12, v10;
	v9 =	vmul.f32 v16, v20;
	v10 =	vld [tilespmem:s31+$0x1C080]  }
0xd9: {  	[tilespmem:s31+$0x1BFD0] =	vst v5;
	v5 =	vadd.f32 v6, v0;
	v6 =	vadd.f32 v8, v0;
	v8 =	vbroadcast v1, $0xA;
	v12 =	vld [tilespmem:s31+$0x1C060]  }
0xda: {  	[tilespmem:s31+$0x1BFE0] =	vst v4;
	v4 =	vadd.f32 v7, v0;
	v7 =	vadd.f32 v9, v0;
	v9 =	vbroadcast v1, $0xB;
	v15 =	vld [tilespmem:s31+$0x1C050]  }
0xdb: {  	v3 =	vadd.f32 v5, v3;
	v2 =	vadd.f32 v6, v2;
	v5 =	vmul.f32 v21, v8;
	v6 =	vld [tilespmem:s31+$0x1C070]  }
0xdc: {  	v4 =	vadd.f32 v4, v14;
	v7 =	vadd.f32 v7, v17;
	v8 =	vmul.f32 v11, v9;
	v11 =	vld [tilespmem:s31+$0x19840]  }
0xdd: {  	v9 =	vbroadcast v1, $0xD;
	[tilespmem:s31+$0x1BFF0] =	vst v3;
	v3 =	vadd.f32 v5, v0;
	v5 =	vbroadcast v1, $0xC;
	v14 =	vld [tilespmem:s31+$0x19850]  }
0xde: {  	v16 =	vbroadcast v1, $0xE;
	v1 =	vbroadcast v1, $0xF;
	[tilespmem:s31+$0x1C000] =	vst v2;
	v2 =	vadd.f32 v8, v0;
	v17 =	vld [tilespmem:s31+$0x19860]  }
0xdf: {  	s28 =	sshra.s32 s26, $0x2;
	[tilespmem:s31+$0x1C010] =	vst v4;
	v3 =	vadd.f32 v3, v13;
	v4 =	vmul.f32 v15, v5;
	v5 =	vmul.f32 v12, v9;
	v12 =	vld [tilespmem:s31+$0x19870]  }
0xe0: {  	v1 =	vmul.f32 v10, v1;
	v8 =	vld [tilespmem:s28+$0x19780];
	[tilespmem:s31+$0x1C020] =	vst v7;
	v2 =	vadd.f32 v2, v18;
	v7 =	vmul.f32 v6, v16  }
0xe1: {  	v9 =	vld [tilespmem:s28+$0x19790];
	[tilespmem:s31+$0x1C030] =	vst v3;
	v3 =	vadd.f32 v4, v0;
	v4 =	vadd.f32 v5, v0  }
0xe2: {  	v1 =	vadd.f32 v1, v0;
	v6 =	vld [tilespmem:s28+$0x197A0];
	[tilespmem:s31+$0x1C040] =	vst v2;
	v2 =	vadd.f32 v7, v0  }
0xe3: {  	v7 =	vld [tilespmem:s28+$0x197B0];
	v3 =	vadd.f32 v3, v11;
	v10 =	vadd.f32 v4, v14  }
0xe4: {  	v5 =	vld [tilespmem:s28+$0x197C0];
	v11 =	vadd.f32 v2, v17;
	v1 =	vadd.f32 v1, v12  }
.Ltmp0:
0xe5: {  	v4 =	vld [tilespmem:s28+$0x197D0];
	[tilespmem:s31+$0x1C050] =	vst v3;
	(pc) =	sbr.rel @p0 .LBB2_2-.Ltmp0, $4  }
0xe6: {  	v3 =	vld [tilespmem:s28+$0x197E0];
	[tilespmem:s31+$0x1C060] =	vst v10  }
0xe7: {  	v2 =	vld [tilespmem:s28+$0x197F0];
	[tilespmem:s31+$0x1C070] =	vst v11  }
0xe8: {  	s0 =	sadd.s32 $0x10, s0;
	v10 =	vld [tilespmem:s28+$0x1BFC0];
	[tilespmem:s31+$0x1C080] =	vst v1;
	s31 =	smov.u32 s28  }
0xe9: {  	s26 =	sadd.s32 $0x400, s26;
	v1 =	vld [tilespmem:s0+$0x0]  }
0xea: {  	_ =	sdelay $0x1  }
0xeb: {  	v11 =	vld [tilespmem:s31+$0x1BFA0]  }
0xec: {  	v12 =	vld [tilespmem:s31+$0x1BF90]  }
0xed: {  	v13 =	vld [tilespmem:s31+$0x1BFB0];
	v15 =	vbroadcast v1, $0x0;
	v18 =	vbroadcast v1, $0x1  }
0xee: {  	v14 =	vld [tilespmem:s31+$0x19800];
	v20 =	vbroadcast v1, $0x2;
	v21 =	vbroadcast v1, $0x3  }
0xef: {  	v16 =	vld [tilespmem:s31+$0x19810];
	v29 =	vbroadcast v1, $0x4;
	v32 =	vbroadcast v1, $0x5  }
0xf0: {  	v17 =	vld [tilespmem:s31+$0x1BFD0];
	v37 =	vbroadcast v1, $0x6;
	v39 =	vbroadcast v1, $0x7  }
0xf1: {  	v25 =	vld [tilespmem:s31+$0x1BFE0];
	v40 =	vbroadcast v1, $0x8;
	v42 =	vbroadcast v1, $0x9  }
0xf2: {  	v19 =	vld [tilespmem:s31+$0x1C020];
	v47 =	vbroadcast v1, $0xA;
	v49 =	vbroadcast v1, $0xB  }
0xf3: {  	v26 =	vld [tilespmem:s31+$0x1C000];
	v51 =	vbroadcast v1, $0xC;
	v12 =	vmul.f32 v15, v12  }
0xf4: {  	v22 =	vld [tilespmem:s31+$0x1BFF0];
	v53 =	vbroadcast v1, $0xD;
	v11 =	vmul.f32 v11, v18  }
0xf5: {  	v27 =	vld [tilespmem:s31+$0x1C010];
	v55 =	vbroadcast v1, $0xE;
	v13 =	vmul.f32 v13, v20;
	v12 =	vadd.f32 v12, v0  }
0xf6: {  	v28 =	vld [tilespmem:s31+$0x19820];
	v57 =	vbroadcast v1, $0xF;
	v10 =	vmul.f32 v10, v21;
	v11 =	vadd.f32 v11, v0  }
0xf7: {  	v33 =	vld [tilespmem:s31+$0x1C030];
	v17 =	vmul.f32 v17, v29;
	v13 =	vadd.f32 v13, v0;
	v8 =	vadd.f32 v12, v8  }
0xf8: {  	v36 =	vld [tilespmem:s31+$0x1C040];
	v34 =	vmul.f32 v25, v32;
	v30 =	vadd.f32 v10, v0;
	v9 =	vadd.f32 v11, v9  }
0xf9: {  	v31 =	vld [tilespmem:s31+$0x19830];
	v35 =	vadd.f32 v17, v0;
	v6 =	vadd.f32 v13, v6;
	v13 =	vmul.f32 v22, v37;
	[tilespmem:s31+$0x1BF90] =	vst v8  }
0xfa: {  	v44 =	vld [tilespmem:s31+$0x1C050];
	v7 =	vadd.f32 v30, v7;
	v11 =	vmul.f32 v26, v39;
	[tilespmem:s31+$0x1BFA0] =	vst v9;
	v8 =	vadd.f32 v34, v0  }
0xfb: {  	v46 =	vld [tilespmem:s31+$0x1C070];
	v45 =	vmul.f32 v19, v42;
	v5 =	vadd.f32 v35, v5;
	[tilespmem:s31+$0x1BFB0] =	vst v6;
	v13 =	vadd.f32 v13, v0  }
0xfc: {  	v38 =	vld [tilespmem:s31+$0x1C080];
	v50 =	vmul.f32 v33, v47;
	[tilespmem:s31+$0x1BFC0] =	vst v7;
	v11 =	vadd.f32 v11, v0;
	v4 =	vadd.f32 v8, v4  }
0xfd: {  	v41 =	vld [tilespmem:s31+$0x1C060];
	v12 =	vadd.f32 v45, v0;
	[tilespmem:s31+$0x1BFD0] =	vst v5;
	v6 =	vmul.f32 v36, v49;
	v3 =	vadd.f32 v13, v3  }
0xfe: {  	v48 =	vld [tilespmem:s31+$0x19840];
	v43 =	vmul.f32 v27, v40;
	v54 =	vadd.f32 v50, v0;
	v2 =	vadd.f32 v11, v2;
	[tilespmem:s31+$0x1BFE0] =	vst v4  }
0xff: {  	v56 =	vld [tilespmem:s31+$0x19860];
	v12 =	vadd.f32 v12, v16;
	v5 =	vmul.f32 v44, v51;
	v6 =	vadd.f32 v6, v0;
	[tilespmem:s31+$0x1BFF0] =	vst v3  }
0x100: {  	v59 =	vld [tilespmem:s31+$0x19870];
	v4 =	vadd.f32 v43, v0;
	[tilespmem:s31+$0x1C000] =	vst v2;
	v2 =	vadd.f32 v54, v28;
	v3 =	vmul.f32 v46, v55  }
0x101: {  	v52 =	vld [tilespmem:s31+$0x19850];
	v1 =	vmul.f32 v38, v57;
	v5 =	vadd.f32 v5, v0;
	[tilespmem:s31+$0x1C020] =	vst v12;
	v6 =	vadd.f32 v6, v31  }
0x102: {  	v58 =	vmul.f32 v41, v53;
	v4 =	vadd.f32 v4, v14;
	[tilespmem:s31+$0x1C030] =	vst v2;
	v60 =	vadd.f32 v3, v0  }
0x103: {  	v62 =	vadd.f32 v1, v0;
	v61 =	vadd.f32 v5, v48;
	[tilespmem:s31+$0x1C040] =	vst v6  }
0x104: {  	[tilespmem:s31+$0x1C010] =	vst v4;
	v4 =	vadd.f32 v58, v0;
	v2 =	vadd.f32 v60, v56  }
0x105: {  	[tilespmem:s31+$0x1C050] =	vst v61;
	v0 =	vadd.f32 v62, v59  }
0x106: {  	s30 =	sadd.s32 $0x1, s30;
	v63 =	vadd.f32 v4, v52;
	[tilespmem:s31+$0x1C070] =	vst v2  }
0x107: {  	p0 =	sne.s32 s30, s15;
	[tilespmem:s31+$0x1C080] =	vst v0  }
.Ltmp1:
0x108: {  	[tilespmem:s31+$0x1C060] =	vst v63;
	(pc) =	sbr.rel @p0 .LBB2_1-.Ltmp1, $4  }
0x109: {  	[hbm4b:s14+s1] =	stream.strided.scatter [tilespmem:s29], [sflag:$0x3], $0x2800, s19, s1, $0x38;
	[tilespmem:$0x1E790] =	vst v63  }
0x10a: {  	_ =	swait.ge [sflag:s20], $0x2800  }
0x10b: {  	[sflag:s20] =	ssyncset.done $0x0  }
0x10c: {  	[sflag:s20] =	ssyncadd.s32 $0xFFFFD800  }
0x10d: {  	_ =	sfence.sel $0x180000  }
0x10e: {  	[bflag:$0x0] =	sbarrier.arrive $0xFFFF  }
0x10f: {  	_ =	strace $0x9000004A  }
0x110: {  	s0 =	stileid.u32;
	[bflag:$0x2] =	sbarrier.arrive $0xFFFF  }
0x111: {  	p0 =	sne.s32 s0, $0x0;
	s0 =	rddreg [dreg:$0x5]  }
0x112: {  	s0 =	sadd.s32 @!p0 $0x100000, s0  }
0x113: {  	[sflag:s0] =	ssyncadd.tile.s32 @!p0 $0x1;
	_ =	shalt  }
.Lfunc_end2:
_tile_overlayer_lowered:
.L_overlay_start_2:
0x114: {  	(tag) =	ssettag $0x2  }
0x115: {  	s0 =	rddreg [dreg:$0x0];
	s2 =	stileid.u32  }
0x116: {  	s1 =	rddreg [dreg:$0x1];
	p0 =	sne.s32 s2, $0x0  }
0x117: {  	s3 =	rddreg [dreg:$0x2];
	[bflag:$0x3] =	sbarrier.arrive $0xFFFF;
	s2 =	simm.s32 @!p0 $0x1C03  }
0x118: {  	[timem:s3], [sflag:s2] =	dma.local @!p0 [hbm:s0], s1  }
0x119: {  	s0 =	simm.s32 @!p0 $0x3  }
0x11a: {  	_ =	swait.ge @!p0 [sflag:s0], s1  }
0x11b: {  	s1 =	ssub.s32 @!p0 $0x0, s1;
	[sflag:s0] =	ssyncset.done @!p0 $0x0  }
0x11c: {  	[sflag:s0] =	ssyncadd.s32 @!p0 s1  }
0x11d: {  	[bflag:$0x3] =	sbarrier.arrive $0xFFFF  }
0x11e: {  	_ =	shalt  }

</sc_bundles>
